<compile_context>
chip_gen: v7x
topology: tpu7x:2x2x1
jax: 0.10.2.dev20260603
libtpu: 0.0.44.dev20260713+nightly
codegen_flags: <defaults>
</compile_context>

<pallas_src>
import functools

import jax
import jax.numpy as jnp
from jax import lax
from jax.experimental import pallas as pl
from jax.experimental.pallas import tpu as pltpu
from jax.experimental.pallas import tpu_sc as plsc

B = 16384
NUM_CONT = 13
NUM_CAT = 26
VOCAB = 100001
EMB = 32
H_CONT = 32
H1 = 64
H2 = 32

NROWS = NUM_CAT * EMB
NW = 32
PAIRS_PER_W = NROWS // NW
SEG_LEN = (38272, 38528, 23040)
SEG_OFF = (0, 38272, 76800)
TAIL_OFF = 99840
TAIL_LEN = VOCAB - TAIL_OFF
TAIL_PAD = 256
SEG_MAX = 38528
UNROLL = 16
NGRP = B // 16


def _make_sc_gather():
    mesh = plsc.VectorSubcoreMesh(core_axis_name="c", subcore_axis_name="s")

    @functools.partial(
        pl.kernel,
        mesh=mesh,
        out_type=jax.ShapeDtypeStruct((NROWS, B), jnp.float32),
        scratch_types=[
            pltpu.VMEM((SEG_MAX,), jnp.float32),
            pltpu.VMEM((SEG_MAX,), jnp.float32),
            pltpu.VMEM((B,), jnp.int32),
            pltpu.VMEM((B,), jnp.float32),
            pltpu.VMEM((B,), jnp.float32),
            pltpu.SemaphoreType.DMA,
            pltpu.SemaphoreType.DMA,
            pltpu.SemaphoreType.DMA,
            pltpu.SemaphoreType.DMA,
        ],
        compiler_params=pltpu.CompilerParams(needs_layout_passes=False),
    )
    def gather_k(idx_hbm, tab_hbm, tail_hbm, out_hbm, buf_a, buf_b, idx_v,
                 out_a, out_b, sem_a, sem_b, sem_oa, sem_ob):
        wid = lax.axis_index("s") * 2 + lax.axis_index("c")
        p0 = wid * PAIRS_PER_W
        bufs = (buf_a, buf_b)
        sems = (sem_a, sem_b)
        outs = (out_a, out_b)
        osems = (sem_oa, sem_ob)
        lanes = lax.iota(jnp.int32, 16)

        def start_seg(p, t, b):
            return pltpu.make_async_copy(
                tab_hbm.at[p, pl.ds(SEG_OFF[t], SEG_LEN[t])],
                bufs[b].at[pl.ds(0, SEG_LEN[t])], sems[b])

        def tail_copy(p, b):
            return pltpu.make_async_copy(
                tail_hbm.at[p],
                bufs[b].at[pl.ds(SEG_LEN[2], TAIL_PAD)], sems[b])

        def out_copy(p, q):
            return pltpu.make_async_copy(outs[q], out_hbm.at[p], osems[q])

        def pass_t(t, b, q):
            buf = bufs[b]
            out_v = outs[q]
            if t == 0:
                @plsc.parallel_loop(0, NGRP, unroll=UNROLL)
                def _(g):
                    base = g * 16
                    iv = idx_v[pl.ds(base, 16)]
                    out_v[pl.ds(base, 16)] = plsc.load_gather(
                        buf, [jnp.minimum(iv, SEG_LEN[0] - 1)])
            else:
                off = SEG_OFF[t]
                cap = SEG_LEN[t] - 1 if t == 1 else SEG_LEN[2] + TAIL_LEN - 1

                @plsc.parallel_loop(0, NGRP, unroll=UNROLL)
                def _(g):
                    base = g * 16
                    iv = idx_v[pl.ds(base, 16)]
                    ivl = jnp.clip(iv - off, 0, cap)
                    gth = plsc.load_gather(buf, [ivl])
                    plsc.store_scatter(out_v, [base + lanes], gth,
                                       mask=iv >= off)

        pltpu.sync_copy(idx_hbm.at[lax.shift_right_logical(p0, 5)], idx_v)
        pltpu.sync_copy(tab_hbm.at[p0, pl.ds(0, SEG_LEN[0])],
                        buf_a.at[pl.ds(0, SEG_LEN[0])])

        def pair2_body(j, carry):
            for i in range(2):
                k = j * 2 + i
                p = p0 + k
                f = lax.shift_right_logical(p, 5)
                r = i
                q = i
                d1 = start_seg(p, 1, 1 - r)
                d1.start()
                @pl.when(jnp.logical_and(jnp.bitwise_and(p, 31) == 0, k > 0))
                def _():
                    pltpu.sync_copy(idx_hbm.at[f], idx_v)

                @pl.when(k >= 2)
                def _():
                    out_copy(p, q).wait()

                pass_t(0, r, q)
                d1.wait()
                d2 = start_seg(p, 2, r)
                d2.start()
                dt = tail_copy(p, r)
                dt.start()
                pass_t(1, 1 - r, q)
                d2.wait()
                dt.wait()
                pn = jnp.minimum(p + 1, NROWS - 1)
                d0 = start_seg(pn, 0, 1 - r)
                d0.start()
                pass_t(2, r, q)
                out_copy(p, q).start()
                d0.wait()
            return carry

        lax.fori_loop(0, PAIRS_PER_W // 2, pair2_body, 0)
        out_copy(p0, 0).wait()
        out_copy(p0, 1).wait()

    return gather_k


_sc_gather = _make_sc_gather()


def _mlp_body(xct_ref, cat_ref, w1_ref, b1_ref, g_ref, be_ref,
              w2h_ref, w2c_ref, b2_ref, w3_ref, b3_ref, out_ref):
    h = jnp.dot(w1_ref[...], xct_ref[...],
                preferred_element_type=jnp.float32) + b1_ref[...]
    mu = jnp.mean(h, axis=0, keepdims=True)
    var = jnp.mean((h - mu) * (h - mu), axis=0, keepdims=True)
    h = (h - mu) * lax.rsqrt(var + 1e-5) * g_ref[...] + be_ref[...]
    h = h * (1.0 / (1.0 + jnp.exp(-h)))
    z = (jnp.dot(w2h_ref[...], h, preferred_element_type=jnp.float32)
         + jnp.dot(w2c_ref[...], cat_ref[...],
                   preferred_element_type=jnp.float32)
         + b2_ref[...])
    z = z * (1.0 / (1.0 + jnp.exp(-z)))
    z = jnp.dot(w3_ref[...], z, preferred_element_type=jnp.float32) + b3_ref[...]
    out_ref[...] = z * (1.0 / (1.0 + jnp.exp(-z)))


_BCOL = 2048


def _mlp_call(xct, catt, w1, b1, ln_g, ln_b, w2h, w2c, b2, w3, b3):
    grid = (B // _BCOL,)
    full = lambda *shape: pl.BlockSpec(shape, lambda i: (0,) * len(shape))
    return pl.pallas_call(
        _mlp_body,
        grid=grid,
        in_specs=[
            pl.BlockSpec((NUM_CONT, _BCOL), lambda i: (0, i)),
            pl.BlockSpec((NROWS, _BCOL), lambda i: (0, i)),
            full(H_CONT, NUM_CONT),
            full(H_CONT, 1),
            full(H_CONT, 1),
            full(H_CONT, 1),
            full(H1, H_CONT),
            full(H1, NROWS),
            full(H1, 1),
            full(H2, H1),
            full(H2, 1),
        ],
        out_specs=pl.BlockSpec((H2, _BCOL), lambda i: (0, i)),
        out_shape=jax.ShapeDtypeStruct((H2, B), jnp.float32),
    )(xct, catt, w1, b1, ln_g, ln_b, w2h, w2c, b2, w3, b3)


def kernel(x_cont, x_cat, tables, W1, b1, ln_g, ln_b, W2, b2, W3, b3):
    tab_t = jnp.transpose(tables, (0, 2, 1)).reshape(NROWS, VOCAB)
    tail_t = jnp.pad(tab_t[:, TAIL_OFF:], ((0, 0), (0, TAIL_PAD - TAIL_LEN)))
    idx_t = x_cat.T
    cat_t = _sc_gather(idx_t, tab_t, tail_t)
    out_t = _mlp_call(
        x_cont.T, cat_t,
        W1, b1.reshape(-1, 1), ln_g.reshape(-1, 1), ln_b.reshape(-1, 1),
        W2[:, :H_CONT], W2[:, H_CONT:], b2.reshape(-1, 1),
        W3, b3.reshape(-1, 1),
    )
    return out_t.T

# --- scband reference (transcript-rebuilt; emitter-appended) ---
"""Pipeline reference for scband-tab-encoder-19310172962996 (READ-ONLY COPY).

The authoritative reference and input builder live on the scoring server;
editing this copy changes nothing except your own understanding.
"""

import jax, jax.numpy as jnp
import numpy as np

B = 16384
NUM_CONT = 13
NUM_CAT = 26
VOCAB = 100001  # card + 1 (row 0 = padding/UNK)
EMB = 32       # emb_dim(100000) = min(32, max(4, round(1.6*100000**0.56))) = 32
H_CONT = 32
H1 = 64
H2 = 32
FUSED = NUM_CAT * EMB + H_CONT  # 864


def setup_inputs(seed: int = 0) -> dict:
    key = jax.random.key(seed)
    ks = jax.random.split(key, 12)
    x_cont = jax.random.normal(ks[0], (B, NUM_CONT), dtype=jnp.float32)
    x_cat = jax.random.randint(ks[1], (B, NUM_CAT), 0, VOCAB, dtype=jnp.int32)
    tables = jax.random.normal(ks[2], (NUM_CAT, VOCAB, EMB), dtype=jnp.float32) * 0.02
    tables = tables.at[:, 0, :].set(0.0)  # padding_idx=0 row is zero
    W1 = jax.random.normal(ks[3], (H_CONT, NUM_CONT), dtype=jnp.float32) * (1.0 / np.sqrt(NUM_CONT))
    b1 = jnp.zeros((H_CONT,), dtype=jnp.float32)
    ln_g = jnp.ones((H_CONT,), dtype=jnp.float32)
    ln_b = jnp.zeros((H_CONT,), dtype=jnp.float32)
    W2 = jax.random.normal(ks[4], (H1, FUSED), dtype=jnp.float32) * (1.0 / np.sqrt(FUSED))
    b2 = jnp.zeros((H1,), dtype=jnp.float32)
    W3 = jax.random.normal(ks[5], (H2, H1), dtype=jnp.float32) * (1.0 / np.sqrt(H1))
    b3 = jnp.zeros((H2,), dtype=jnp.float32)
    return {"x_cont": x_cont, "x_cat": x_cat, "tables": tables, "W1": W1, "b1": b1,
            "ln_g": ln_g, "ln_b": ln_b, "W2": W2, "b2": b2, "W3": W3, "b3": b3}


def _silu(x):
    return x * jax.nn.sigmoid(x)


def reference(x_cont, x_cat, tables, W1, b1, ln_g, ln_b, W2, b2, W3, b3):
    # Embedding lookup for each of the 26 categorical fields (all share emb_dim=32,
    # so tables are stacked as [NUM_CAT, VOCAB, EMB]).
    field_idx = jnp.arange(NUM_CAT, dtype=jnp.int32)[None, :]  # [1, 26]
    cat = tables[field_idx, x_cat]                             # gather -> [B, 26, 32]
    cat = cat.reshape(x_cat.shape[0], NUM_CAT * EMB)           # [B, 832]
    # emb_dropout: identity at inference
    # continuous branch: Linear -> LayerNorm -> SiLU (dropout=identity)
    h = x_cont.astype(jnp.float32) @ W1.T + b1
    mu = jnp.mean(h, axis=-1, keepdims=True)
    var = jnp.var(h, axis=-1, keepdims=True)
    h = (h - mu) / jnp.sqrt(var + 1e-5) * ln_g + ln_b
    h = _silu(h)
    fused = jnp.concatenate([h, cat], axis=1)                  # [B, 864]
    z = _silu(fused @ W2.T + b2)                               # [B, 64]
    z = _silu(z @ W3.T + b3)                                   # [B, 32]
    return z

if __name__ == "__main__":
    import jax
    _d = setup_inputs()
    print(jax.jit(kernel)(*tuple(_d.values())))

</pallas_src>

<mosaic_0001>
#map = affine_map<(d0, d1) -> (0, 0)>
module attributes {stable_mosaic.version = 14 : i64} {
  func.func @gather_k(%arg0: i32, %arg1: i32, %arg2: memref<26x16384xi32, #tpu.memory_space<hbm>>, %arg3: memref<832x100001xf32, #tpu.memory_space<hbm>>, %arg4: memref<832x256xf32, #tpu.memory_space<hbm>>, %arg5: memref<832x16384xf32, #tpu.memory_space<hbm>>, %arg6: memref<38528xf32, #tpu.memory_space<vmem>>, %arg7: memref<38528xf32, #tpu.memory_space<vmem>>, %arg8: memref<16384xi32, #tpu.memory_space<vmem>>, %arg9: memref<16384xf32, #tpu.memory_space<vmem>>, %arg10: memref<16384xf32, #tpu.memory_space<vmem>>, %arg11: memref<!tpu.dma_semaphore, #tpu.memory_space<semaphore_mem>>, %arg12: memref<!tpu.dma_semaphore, #tpu.memory_space<semaphore_mem>>, %arg13: memref<!tpu.dma_semaphore, #tpu.memory_space<semaphore_mem>>, %arg14: memref<!tpu.dma_semaphore, #tpu.memory_space<semaphore_mem>>) attributes {dimension_semantics = [#tpu.dimension_semantics<core_parallel>, #tpu.dimension_semantics<subcore_parallel>], iteration_bounds = array<i64: 2, 16>, scalar_prefetch = 0 : i64, scratch_operands = 9 : i64, tpu.core_type = #tpu.core_type<sc_vector_subcore>, window_params = [{transform_indices = #map}, {transform_indices = #map}, {transform_indices = #map}, {transform_indices = #map}]} {
    %mul3A = arith.constant 2 : i32
    %mul3A_0 = arith.muli %arg1, %mul3A : i32
    %add3A = arith.addi %mul3A_0, %arg0 : i32
    %mul3A_1 = arith.constant 26 : i32
    %mul3A_2 = arith.muli %add3A, %mul3A_1 : i32
    %iota3A = tpu.iota {dimensions = array<i32: 0>} : vector<16xi32>
    %shift_right_logical3A = arith.constant 5 : i32
    %shift_right_logical3A_3 = arith.shrui %mul3A_2, %shift_right_logical3A : i32
    "tpu.region"() ({
      %run_scoped3A = tpu.sem_alloc : memref<!tpu.dma_semaphore, #tpu.memory_space<semaphore_mem>>
      %dma_start3A = arith.constant 0 : i32
      %dma_start3A_20 = tpu.memref_slice %arg2[%shift_right_logical3A_3, %dma_start3A] : memref<26x16384xi32, #tpu.memory_space<hbm>> -> memref<1x16384xi32, #tpu.memory_space<hbm>>
      %dma_start3A_21 = tpu.memref_squeeze %dma_start3A_20 : memref<1x16384xi32, #tpu.memory_space<hbm>> -> memref<16384xi32, #tpu.memory_space<hbm>>
      %dma_start3A_22 = arith.constant 0 : i32
      %dma_start3A_23 = tpu.memref_slice %arg2[%shift_right_logical3A_3, %dma_start3A_22] : memref<26x16384xi32, #tpu.memory_space<hbm>> -> memref<1x16384xi32, #tpu.memory_space<hbm>>
      %dma_start3A_24 = tpu.memref_squeeze %dma_start3A_23 : memref<1x16384xi32, #tpu.memory_space<hbm>> -> memref<16384xi32, #tpu.memory_space<hbm>>
      tpu.enqueue_dma source(%dma_start3A_24 : memref<16384xi32, #tpu.memory_space<hbm>>) target(%arg8 : memref<16384xi32, #tpu.memory_space<vmem>>) target_semaphore(%run_scoped3A : memref<!tpu.dma_semaphore, #tpu.memory_space<semaphore_mem>>)
      %dma_wait3A_25 = arith.constant 0 : i32
      %dma_wait3A_26 = tpu.memref_slice %arg2[%shift_right_logical3A_3, %dma_wait3A_25] : memref<26x16384xi32, #tpu.memory_space<hbm>> -> memref<1x16384xi32, #tpu.memory_space<hbm>>
      %dma_wait3A_27 = tpu.memref_squeeze %dma_wait3A_26 : memref<1x16384xi32, #tpu.memory_space<hbm>> -> memref<16384xi32, #tpu.memory_space<hbm>>
      %dma_wait3A_28 = arith.constant 0 : i32
      %dma_wait3A_29 = tpu.memref_slice %arg2[%shift_right_logical3A_3, %dma_wait3A_28] : memref<26x16384xi32, #tpu.memory_space<hbm>> -> memref<1x16384xi32, #tpu.memory_space<hbm>>
      %dma_wait3A_30 = tpu.memref_squeeze %dma_wait3A_29 : memref<1x16384xi32, #tpu.memory_space<hbm>> -> memref<16384xi32, #tpu.memory_space<hbm>>
      tpu.wait_dma2 semaphore(%run_scoped3A : memref<!tpu.dma_semaphore, #tpu.memory_space<semaphore_mem>>) src(%dma_wait3A_30 : memref<16384xi32, #tpu.memory_space<hbm>>) dst(%arg8 : memref<16384xi32, #tpu.memory_space<vmem>>)
      tpu.yield
    }) : () -> ()
    "tpu.region"() ({
      %run_scoped3A = tpu.sem_alloc : memref<!tpu.dma_semaphore, #tpu.memory_space<semaphore_mem>>
      %dma_start3A = arith.constant 0 : i32
      %dma_start3A_20 = tpu.memref_slice %arg6[%dma_start3A] : memref<38528xf32, #tpu.memory_space<vmem>> -> memref<38272xf32, #tpu.memory_space<vmem>>
      %dma_start3A_21 = arith.constant 0 : i32
      %dma_start3A_22 = tpu.memref_slice %arg3[%mul3A_2, %dma_start3A_21] : memref<832x100001xf32, #tpu.memory_space<hbm>> -> memref<1x38272xf32, #tpu.memory_space<hbm>>
      %dma_start3A_23 = tpu.memref_squeeze %dma_start3A_22 : memref<1x38272xf32, #tpu.memory_space<hbm>> -> memref<38272xf32, #tpu.memory_space<hbm>>
      %dma_start3A_24 = arith.constant 0 : i32
      %dma_start3A_25 = tpu.memref_slice %arg6[%dma_start3A_24] : memref<38528xf32, #tpu.memory_space<vmem>> -> memref<38272xf32, #tpu.memory_space<vmem>>
      %dma_start3A_26 = arith.constant 0 : i32
      %dma_start3A_27 = tpu.memref_slice %arg3[%mul3A_2, %dma_start3A_26] : memref<832x100001xf32, #tpu.memory_space<hbm>> -> memref<1x38272xf32, #tpu.memory_space<hbm>>
      %dma_start3A_28 = tpu.memref_squeeze %dma_start3A_27 : memref<1x38272xf32, #tpu.memory_space<hbm>> -> memref<38272xf32, #tpu.memory_space<hbm>>
      tpu.enqueue_dma source(%dma_start3A_28 : memref<38272xf32, #tpu.memory_space<hbm>>) target(%dma_start3A_25 : memref<38272xf32, #tpu.memory_space<vmem>>) target_semaphore(%run_scoped3A : memref<!tpu.dma_semaphore, #tpu.memory_space<semaphore_mem>>)
      %dma_wait3A_29 = arith.constant 0 : i32
      %dma_wait3A_30 = tpu.memref_slice %arg6[%dma_wait3A_29] : memref<38528xf32, #tpu.memory_space<vmem>> -> memref<38272xf32, #tpu.memory_space<vmem>>
      %dma_wait3A_31 = arith.constant 0 : i32
      %dma_wait3A_32 = tpu.memref_slice %arg3[%mul3A_2, %dma_wait3A_31] : memref<832x100001xf32, #tpu.memory_space<hbm>> -> memref<1x38272xf32, #tpu.memory_space<hbm>>
      %dma_wait3A_33 = tpu.memref_squeeze %dma_wait3A_32 : memref<1x38272xf32, #tpu.memory_space<hbm>> -> memref<38272xf32, #tpu.memory_space<hbm>>
      %dma_wait3A_34 = arith.constant 0 : i32
      %dma_wait3A_35 = tpu.memref_slice %arg6[%dma_wait3A_34] : memref<38528xf32, #tpu.memory_space<vmem>> -> memref<38272xf32, #tpu.memory_space<vmem>>
      %dma_wait3A_36 = arith.constant 0 : i32
      %dma_wait3A_37 = tpu.memref_slice %arg3[%mul3A_2, %dma_wait3A_36] : memref<832x100001xf32, #tpu.memory_space<hbm>> -> memref<1x38272xf32, #tpu.memory_space<hbm>>
      %dma_wait3A_38 = tpu.memref_squeeze %dma_wait3A_37 : memref<1x38272xf32, #tpu.memory_space<hbm>> -> memref<38272xf32, #tpu.memory_space<hbm>>
      tpu.wait_dma2 semaphore(%run_scoped3A : memref<!tpu.dma_semaphore, #tpu.memory_space<semaphore_mem>>) src(%dma_wait3A_38 : memref<38272xf32, #tpu.memory_space<hbm>>) dst(%dma_wait3A_35 : memref<38272xf32, #tpu.memory_space<vmem>>)
      tpu.yield
    }) : () -> ()
    %scan3A = arith.constant 0 : i32
    %scan3A_4 = arith.constant 0 : i32
    %scan3A_5 = arith.constant 13 : i32
    %scan3A_6 = arith.addi %scan3A_4, %scan3A_5 : i32
    %scan3A_7 = arith.constant 1 : i32
    scf.for %scan3A_20 = %scan3A_4 to %scan3A_6 step %scan3A_7  : i32 {
      %mul3A_21 = arith.constant 2 : i32
      %mul3A_22 = arith.muli %scan3A_20, %mul3A_21 : i32
      %add3A_23 = arith.constant 0 : i32
      %add3A_24 = arith.addi %mul3A_22, %add3A_23 : i32
      %add3A_25 = arith.addi %mul3A_2, %add3A_24 : i32
      %shift_right_logical3A_26 = arith.constant 5 : i32
      %shift_right_logical3A_27 = arith.shrui %add3A_25, %shift_right_logical3A_26 : i32
      %dma_start3A = arith.constant 0 : i32
      %dma_start3A_28 = tpu.memref_slice %arg7[%dma_start3A] : memref<38528xf32, #tpu.memory_space<vmem>> -> memref<38528xf32, #tpu.memory_space<vmem>>
      %dma_start3A_29 = arith.constant 38272 : i32
      %dma_start3A_30 = tpu.memref_slice %arg3[%add3A_25, %dma_start3A_29] : memref<832x100001xf32, #tpu.memory_space<hbm>> -> memref<1x38528xf32, #tpu.memory_space<hbm>>
      %dma_start3A_31 = tpu.memref_squeeze %dma_start3A_30 : memref<1x38528xf32, #tpu.memory_space<hbm>> -> memref<38528xf32, #tpu.memory_space<hbm>>
      %dma_start3A_32 = arith.constant 0 : i32
      %dma_start3A_33 = tpu.memref_slice %arg7[%dma_start3A_32] : memref<38528xf32, #tpu.memory_space<vmem>> -> memref<38528xf32, #tpu.memory_space<vmem>>
      %dma_start3A_34 = arith.constant 38272 : i32
      %dma_start3A_35 = tpu.memref_slice %arg3[%add3A_25, %dma_start3A_34] : memref<832x100001xf32, #tpu.memory_space<hbm>> -> memref<1x38528xf32, #tpu.memory_space<hbm>>
      %dma_start3A_36 = tpu.memref_squeeze %dma_start3A_35 : memref<1x38528xf32, #tpu.memory_space<hbm>> -> memref<38528xf32, #tpu.memory_space<hbm>>
      tpu.enqueue_dma source(%dma_start3A_36 : memref<38528xf32, #tpu.memory_space<hbm>>) target(%dma_start3A_33 : memref<38528xf32, #tpu.memory_space<vmem>>) target_semaphore(%arg12 : memref<!tpu.dma_semaphore, #tpu.memory_space<semaphore_mem>>)
      %and3A = arith.constant 31 : i32
      %and3A_37 = arith.andi %add3A_25, %and3A : i32
      %eq3A = arith.constant 0 : i32
      %eq3A_38 = arith.cmpi eq, %and3A_37, %eq3A : i32
      %gt3A = arith.constant 0 : i32
      %gt3A_39 = arith.cmpi sgt, %add3A_24, %gt3A : i32
      %and3A_40 = arith.andi %eq3A_38, %gt3A_39 : i1
      %convert_element_type3A = arith.extui %and3A_40 : i1 to i32
      %cond3A = arith.constant 0 : i32
      %cond3A_41 = arith.cmpi ne, %convert_element_type3A, %cond3A : i32
      scf.if %cond3A_41 {
        "tpu.region"() ({
          %run_scoped3A = tpu.sem_alloc : memref<!tpu.dma_semaphore, #tpu.memory_space<semaphore_mem>>
          %dma_start3A_254 = arith.constant 0 : i32
          %dma_start3A_255 = tpu.memref_slice %arg2[%shift_right_logical3A_27, %dma_start3A_254] : memref<26x16384xi32, #tpu.memory_space<hbm>> -> memref<1x16384xi32, #tpu.memory_space<hbm>>
          %dma_start3A_256 = tpu.memref_squeeze %dma_start3A_255 : memref<1x16384xi32, #tpu.memory_space<hbm>> -> memref<16384xi32, #tpu.memory_space<hbm>>
          %dma_start3A_257 = arith.constant 0 : i32
          %dma_start3A_258 = tpu.memref_slice %arg2[%shift_right_logical3A_27, %dma_start3A_257] : memref<26x16384xi32, #tpu.memory_space<hbm>> -> memref<1x16384xi32, #tpu.memory_space<hbm>>
          %dma_start3A_259 = tpu.memref_squeeze %dma_start3A_258 : memref<1x16384xi32, #tpu.memory_space<hbm>> -> memref<16384xi32, #tpu.memory_space<hbm>>
          tpu.enqueue_dma source(%dma_start3A_259 : memref<16384xi32, #tpu.memory_space<hbm>>) target(%arg8 : memref<16384xi32, #tpu.memory_space<vmem>>) target_semaphore(%run_scoped3A : memref<!tpu.dma_semaphore, #tpu.memory_space<semaphore_mem>>)
          %dma_wait3A_260 = arith.constant 0 : i32
          %dma_wait3A_261 = tpu.memref_slice %arg2[%shift_right_logical3A_27, %dma_wait3A_260] : memref<26x16384xi32, #tpu.memory_space<hbm>> -> memref<1x16384xi32, #tpu.memory_space<hbm>>
          %dma_wait3A_262 = tpu.memref_squeeze %dma_wait3A_261 : memref<1x16384xi32, #tpu.memory_space<hbm>> -> memref<16384xi32, #tpu.memory_space<hbm>>
          %dma_wait3A_263 = arith.constant 0 : i32
          %dma_wait3A_264 = tpu.memref_slice %arg2[%shift_right_logical3A_27, %dma_wait3A_263] : memref<26x16384xi32, #tpu.memory_space<hbm>> -> memref<1x16384xi32, #tpu.memory_space<hbm>>
          %dma_wait3A_265 = tpu.memref_squeeze %dma_wait3A_264 : memref<1x16384xi32, #tpu.memory_space<hbm>> -> memref<16384xi32, #tpu.memory_space<hbm>>
          tpu.wait_dma2 semaphore(%run_scoped3A : memref<!tpu.dma_semaphore, #tpu.memory_space<semaphore_mem>>) src(%dma_wait3A_265 : memref<16384xi32, #tpu.memory_space<hbm>>) dst(%arg8 : memref<16384xi32, #tpu.memory_space<vmem>>)
          tpu.yield
        }) : () -> ()
      } else {
      }
      %ge3A = arith.constant 2 : i32
      %ge3A_42 = arith.cmpi sge, %add3A_24, %ge3A : i32
      %convert_element_type3A_43 = arith.extui %ge3A_42 : i1 to i32
      %cond3A_44 = arith.constant 0 : i32
      %cond3A_45 = arith.cmpi ne, %convert_element_type3A_43, %cond3A_44 : i32
      scf.if %cond3A_45 {
        %dma_wait3A_254 = arith.constant 0 : i32
        %dma_wait3A_255 = tpu.memref_slice %arg5[%add3A_25, %dma_wait3A_254] : memref<832x16384xf32, #tpu.memory_space<hbm>> -> memref<1x16384xf32, #tpu.memory_space<hbm>>
        %dma_wait3A_256 = tpu.memref_squeeze %dma_wait3A_255 : memref<1x16384xf32, #tpu.memory_space<hbm>> -> memref<16384xf32, #tpu.memory_space<hbm>>
        %dma_wait3A_257 = arith.constant 0 : i32
        %dma_wait3A_258 = tpu.memref_slice %arg5[%add3A_25, %dma_wait3A_257] : memref<832x16384xf32, #tpu.memory_space<hbm>> -> memref<1x16384xf32, #tpu.memory_space<hbm>>
        %dma_wait3A_259 = tpu.memref_squeeze %dma_wait3A_258 : memref<1x16384xf32, #tpu.memory_space<hbm>> -> memref<16384xf32, #tpu.memory_space<hbm>>
        tpu.wait_dma2 semaphore(%arg13 : memref<!tpu.dma_semaphore, #tpu.memory_space<semaphore_mem>>) src(%arg9 : memref<16384xf32, #tpu.memory_space<vmem>>) dst(%dma_wait3A_259 : memref<16384xf32, #tpu.memory_space<hbm>>)
      } else {
      }
      %parallel_loop3A = arith.constant 0 : i32
      %parallel_loop3A_46 = arith.constant 1024 : i32
      %parallel_loop3A_47 = arith.constant 1 : i32
      scf.for %parallel_loop3A_254 = %parallel_loop3A to %parallel_loop3A_46 step %parallel_loop3A_47  : i32 {
        %parallel_loop3A_255 = arith.constant 16 : i32
        %parallel_loop3A_256 = arith.muli %parallel_loop3A_254, %parallel_loop3A_255 : i32
        %parallel_loop3A_257 = arith.index_cast %parallel_loop3A_256 : i32 to index
        %parallel_loop3A_258 = tpu.vector_load %arg8[%parallel_loop3A_257] {strides = array<i32>} : memref<16384xi32, #tpu.memory_space<vmem>>, vector<16xi32>,
        %parallel_loop3A_259 = arith.constant 38271 : i32
        %parallel_loop3A_260 = vector.broadcast %parallel_loop3A_259 : i32 to vector<16xi32>
        %parallel_loop3A_261 = arith.minsi %parallel_loop3A_258, %parallel_loop3A_260 : vector<16xi32>
        %parallel_loop3A_262 = tpu.vector_load_idx %arg6[%parallel_loop3A_261] : memref<38528xf32, #tpu.memory_space<vmem>>[vector<16xi32>], vector<16xf32>,
        %parallel_loop3A_263 = arith.index_cast %parallel_loop3A_256 : i32 to index
        %parallel_loop3A_264 = tpu.vector_load %arg9[%parallel_loop3A_263] {strides = array<i32>} : memref<16384xf32, #tpu.memory_space<vmem>>, vector<16xf32>,
        tpu.vector_store %arg9[%parallel_loop3A_263], %parallel_loop3A_262 {strides = array<i32>} : memref<16384xf32, #tpu.memory_space<vmem>>, vector<16xf32>,
      } {sc.loop_unroll_factor = 16 : i64, sc.parallel_access}
      %dma_wait3A_48 = arith.constant 0 : i32
      %dma_wait3A_49 = tpu.memref_slice %arg7[%dma_wait3A_48] : memref<38528xf32, #tpu.memory_space<vmem>> -> memref<38528xf32, #tpu.memory_space<vmem>>
      %dma_wait3A_50 = arith.constant 38272 : i32
      %dma_wait3A_51 = tpu.memref_slice %arg3[%add3A_25, %dma_wait3A_50] : memref<832x100001xf32, #tpu.memory_space<hbm>> -> memref<1x38528xf32, #tpu.memory_space<hbm>>
      %dma_wait3A_52 = tpu.memref_squeeze %dma_wait3A_51 : memref<1x38528xf32, #tpu.memory_space<hbm>> -> memref<38528xf32, #tpu.memory_space<hbm>>
      %dma_wait3A_53 = arith.constant 0 : i32
      %dma_wait3A_54 = tpu.memref_slice %arg7[%dma_wait3A_53] : memref<38528xf32, #tpu.memory_space<vmem>> -> memref<38528xf32, #tpu.memory_space<vmem>>
      %dma_wait3A_55 = arith.constant 38272 : i32
      %dma_wait3A_56 = tpu.memref_slice %arg3[%add3A_25, %dma_wait3A_55] : memref<832x100001xf32, #tpu.memory_space<hbm>> -> memref<1x38528xf32, #tpu.memory_space<hbm>>
      %dma_wait3A_57 = tpu.memref_squeeze %dma_wait3A_56 : memref<1x38528xf32, #tpu.memory_space<hbm>> -> memref<38528xf32, #tpu.memory_space<hbm>>
      tpu.wait_dma2 semaphore(%arg12 : memref<!tpu.dma_semaphore, #tpu.memory_space<semaphore_mem>>) src(%dma_wait3A_57 : memref<38528xf32, #tpu.memory_space<hbm>>) dst(%dma_wait3A_54 : memref<38528xf32, #tpu.memory_space<vmem>>)
      %dma_start3A_58 = arith.constant 0 : i32
      %dma_start3A_59 = tpu.memref_slice %arg6[%dma_start3A_58] : memref<38528xf32, #tpu.memory_space<vmem>> -> memref<23040xf32, #tpu.memory_space<vmem>>
      %dma_start3A_60 = arith.constant 76800 : i32
      %dma_start3A_61 = tpu.memref_slice %arg3[%add3A_25, %dma_start3A_60] : memref<832x100001xf32, #tpu.memory_space<hbm>> -> memref<1x23040xf32, #tpu.memory_space<hbm>>
      %dma_start3A_62 = tpu.memref_squeeze %dma_start3A_61 : memref<1x23040xf32, #tpu.memory_space<hbm>> -> memref<23040xf32, #tpu.memory_space<hbm>>
      %dma_start3A_63 = arith.constant 0 : i32
      %dma_start3A_64 = tpu.memref_slice %arg6[%dma_start3A_63] : memref<38528xf32, #tpu.memory_space<vmem>> -> memref<23040xf32, #tpu.memory_space<vmem>>
      %dma_start3A_65 = arith.constant 76800 : i32
      %dma_start3A_66 = tpu.memref_slice %arg3[%add3A_25, %dma_start3A_65] : memref<832x100001xf32, #tpu.memory_space<hbm>> -> memref<1x23040xf32, #tpu.memory_space<hbm>>
      %dma_start3A_67 = tpu.memref_squeeze %dma_start3A_66 : memref<1x23040xf32, #tpu.memory_space<hbm>> -> memref<23040xf32, #tpu.memory_space<hbm>>
      tpu.enqueue_dma source(%dma_start3A_67 : memref<23040xf32, #tpu.memory_space<hbm>>) target(%dma_start3A_64 : memref<23040xf32, #tpu.memory_space<vmem>>) target_semaphore(%arg11 : memref<!tpu.dma_semaphore, #tpu.memory_space<semaphore_mem>>)
      %dma_start3A_68 = arith.constant 23040 : i32
      %dma_start3A_69 = tpu.memref_slice %arg6[%dma_start3A_68] : memref<38528xf32, #tpu.memory_space<vmem>> -> memref<256xf32, #tpu.memory_space<vmem>>
      %dma_start3A_70 = arith.constant 0 : i32
      %dma_start3A_71 = tpu.memref_slice %arg4[%add3A_25, %dma_start3A_70] : memref<832x256xf32, #tpu.memory_space<hbm>> -> memref<1x256xf32, #tpu.memory_space<hbm>>
      %dma_start3A_72 = tpu.memref_squeeze %dma_start3A_71 : memref<1x256xf32, #tpu.memory_space<hbm>> -> memref<256xf32, #tpu.memory_space<hbm>>
      %dma_start3A_73 = arith.constant 23040 : i32
      %dma_start3A_74 = tpu.memref_slice %arg6[%dma_start3A_73] : memref<38528xf32, #tpu.memory_space<vmem>> -> memref<256xf32, #tpu.memory_space<vmem>>
      %dma_start3A_75 = arith.constant 0 : i32
      %dma_start3A_76 = tpu.memref_slice %arg4[%add3A_25, %dma_start3A_75] : memref<832x256xf32, #tpu.memory_space<hbm>> -> memref<1x256xf32, #tpu.memory_space<hbm>>
      %dma_start3A_77 = tpu.memref_squeeze %dma_start3A_76 : memref<1x256xf32, #tpu.memory_space<hbm>> -> memref<256xf32, #tpu.memory_space<hbm>>
      tpu.enqueue_dma source(%dma_start3A_77 : memref<256xf32, #tpu.memory_space<hbm>>) target(%dma_start3A_74 : memref<256xf32, #tpu.memory_space<vmem>>) target_semaphore(%arg11 : memref<!tpu.dma_semaphore, #tpu.memory_space<semaphore_mem>>)
      %parallel_loop3A_78 = arith.constant 0 : i32
      %parallel_loop3A_79 = arith.constant 1024 : i32
      %parallel_loop3A_80 = arith.constant 1 : i32
      scf.for %parallel_loop3A_254 = %parallel_loop3A_78 to %parallel_loop3A_79 step %parallel_loop3A_80  : i32 {
        %parallel_loop3A_255 = arith.constant 16 : i32
        %parallel_loop3A_256 = arith.muli %parallel_loop3A_254, %parallel_loop3A_255 : i32
        %parallel_loop3A_257 = arith.index_cast %parallel_loop3A_256 : i32 to index
        %parallel_loop3A_258 = tpu.vector_load %arg8[%parallel_loop3A_257] {strides = array<i32>} : memref<16384xi32, #tpu.memory_space<vmem>>, vector<16xi32>,
        %parallel_loop3A_259 = arith.constant 38272 : i32
        %parallel_loop3A_260 = vector.broadcast %parallel_loop3A_259 : i32 to vector<16xi32>
        %parallel_loop3A_261 = arith.subi %parallel_loop3A_258, %parallel_loop3A_260 : vector<16xi32>
        %parallel_loop3A_262 = arith.constant 0 : i32
        %parallel_loop3A_263 = arith.constant 38527 : i32
        %parallel_loop3A_264 = vector.broadcast %parallel_loop3A_262 : i32 to vector<16xi32>
        %parallel_loop3A_265 = arith.maxsi %parallel_loop3A_264, %parallel_loop3A_261 : vector<16xi32>
        %parallel_loop3A_266 = vector.broadcast %parallel_loop3A_263 : i32 to vector<16xi32>
        %parallel_loop3A_267 = arith.minsi %parallel_loop3A_266, %parallel_loop3A_265 : vector<16xi32>
        %parallel_loop3A_268 = tpu.vector_load_idx %arg7[%parallel_loop3A_267] : memref<38528xf32, #tpu.memory_space<vmem>>[vector<16xi32>], vector<16xf32>,
        %parallel_loop3A_269 = vector.broadcast %parallel_loop3A_256 : i32 to vector<16xi32>
        %parallel_loop3A_270 = arith.addi %parallel_loop3A_269, %iota3A : vector<16xi32>
        %parallel_loop3A_271 = arith.constant 38272 : i32
        %parallel_loop3A_272 = vector.broadcast %parallel_loop3A_271 : i32 to vector<16xi32>
        %parallel_loop3A_273 = arith.cmpi sge, %parallel_loop3A_258, %parallel_loop3A_272 : vector<16xi32>
        tpu.vector_store_idx %arg9[%parallel_loop3A_270], %parallel_loop3A_268 masked %parallel_loop3A_273 : memref<16384xf32, #tpu.memory_space<vmem>>[vector<16xi32>], vector<16xf32>, vector<16xi1>
      } {sc.loop_unroll_factor = 16 : i64, sc.parallel_access}
      %dma_wait3A_81 = arith.constant 0 : i32
      %dma_wait3A_82 = tpu.memref_slice %arg6[%dma_wait3A_81] : memref<38528xf32, #tpu.memory_space<vmem>> -> memref<23040xf32, #tpu.memory_space<vmem>>
      %dma_wait3A_83 = arith.constant 76800 : i32
      %dma_wait3A_84 = tpu.memref_slice %arg3[%add3A_25, %dma_wait3A_83] : memref<832x100001xf32, #tpu.memory_space<hbm>> -> memref<1x23040xf32, #tpu.memory_space<hbm>>
      %dma_wait3A_85 = tpu.memref_squeeze %dma_wait3A_84 : memref<1x23040xf32, #tpu.memory_space<hbm>> -> memref<23040xf32, #tpu.memory_space<hbm>>
      %dma_wait3A_86 = arith.constant 0 : i32
      %dma_wait3A_87 = tpu.memref_slice %arg6[%dma_wait3A_86] : memref<38528xf32, #tpu.memory_space<vmem>> -> memref<23040xf32, #tpu.memory_space<vmem>>
      %dma_wait3A_88 = arith.constant 76800 : i32
      %dma_wait3A_89 = tpu.memref_slice %arg3[%add3A_25, %dma_wait3A_88] : memref<832x100001xf32, #tpu.memory_space<hbm>> -> memref<1x23040xf32, #tpu.memory_space<hbm>>
      %dma_wait3A_90 = tpu.memref_squeeze %dma_wait3A_89 : memref<1x23040xf32, #tpu.memory_space<hbm>> -> memref<23040xf32, #tpu.memory_space<hbm>>
      tpu.wait_dma2 semaphore(%arg11 : memref<!tpu.dma_semaphore, #tpu.memory_space<semaphore_mem>>) src(%dma_wait3A_90 : memref<23040xf32, #tpu.memory_space<hbm>>) dst(%dma_wait3A_87 : memref<23040xf32, #tpu.memory_space<vmem>>)
      %dma_wait3A_91 = arith.constant 23040 : i32
      %dma_wait3A_92 = tpu.memref_slice %arg6[%dma_wait3A_91] : memref<38528xf32, #tpu.memory_space<vmem>> -> memref<256xf32, #tpu.memory_space<vmem>>
      %dma_wait3A_93 = arith.constant 0 : i32
      %dma_wait3A_94 = tpu.memref_slice %arg4[%add3A_25, %dma_wait3A_93] : memref<832x256xf32, #tpu.memory_space<hbm>> -> memref<1x256xf32, #tpu.memory_space<hbm>>
      %dma_wait3A_95 = tpu.memref_squeeze %dma_wait3A_94 : memref<1x256xf32, #tpu.memory_space<hbm>> -> memref<256xf32, #tpu.memory_space<hbm>>
      %dma_wait3A_96 = arith.constant 23040 : i32
      %dma_wait3A_97 = tpu.memref_slice %arg6[%dma_wait3A_96] : memref<38528xf32, #tpu.memory_space<vmem>> -> memref<256xf32, #tpu.memory_space<vmem>>
      %dma_wait3A_98 = arith.constant 0 : i32
      %dma_wait3A_99 = tpu.memref_slice %arg4[%add3A_25, %dma_wait3A_98] : memref<832x256xf32, #tpu.memory_space<hbm>> -> memref<1x256xf32, #tpu.memory_space<hbm>>
      %dma_wait3A_100 = tpu.memref_squeeze %dma_wait3A_99 : memref<1x256xf32, #tpu.memory_space<hbm>> -> memref<256xf32, #tpu.memory_space<hbm>>
      tpu.wait_dma2 semaphore(%arg11 : memref<!tpu.dma_semaphore, #tpu.memory_space<semaphore_mem>>) src(%dma_wait3A_100 : memref<256xf32, #tpu.memory_space<hbm>>) dst(%dma_wait3A_97 : memref<256xf32, #tpu.memory_space<vmem>>)
      %add3A_101 = arith.constant 1 : i32
      %add3A_102 = arith.addi %add3A_25, %add3A_101 : i32
      %min3A = arith.constant 831 : i32
      %min3A_103 = arith.minsi %add3A_102, %min3A : i32
      %dma_start3A_104 = arith.constant 0 : i32
      %dma_start3A_105 = tpu.memref_slice %arg7[%dma_start3A_104] : memref<38528xf32, #tpu.memory_space<vmem>> -> memref<38272xf32, #tpu.memory_space<vmem>>
      %dma_start3A_106 = arith.constant 0 : i32
      %dma_start3A_107 = tpu.memref_slice %arg3[%min3A_103, %dma_start3A_106] : memref<832x100001xf32, #tpu.memory_space<hbm>> -> memref<1x38272xf32, #tpu.memory_space<hbm>>
      %dma_start3A_108 = tpu.memref_squeeze %dma_start3A_107 : memref<1x38272xf32, #tpu.memory_space<hbm>> -> memref<38272xf32, #tpu.memory_space<hbm>>
      %dma_start3A_109 = arith.constant 0 : i32
      %dma_start3A_110 = tpu.memref_slice %arg7[%dma_start3A_109] : memref<38528xf32, #tpu.memory_space<vmem>> -> memref<38272xf32, #tpu.memory_space<vmem>>
      %dma_start3A_111 = arith.constant 0 : i32
      %dma_start3A_112 = tpu.memref_slice %arg3[%min3A_103, %dma_start3A_111] : memref<832x100001xf32, #tpu.memory_space<hbm>> -> memref<1x38272xf32, #tpu.memory_space<hbm>>
      %dma_start3A_113 = tpu.memref_squeeze %dma_start3A_112 : memref<1x38272xf32, #tpu.memory_space<hbm>> -> memref<38272xf32, #tpu.memory_space<hbm>>
      tpu.enqueue_dma source(%dma_start3A_113 : memref<38272xf32, #tpu.memory_space<hbm>>) target(%dma_start3A_110 : memref<38272xf32, #tpu.memory_space<vmem>>) target_semaphore(%arg12 : memref<!tpu.dma_semaphore, #tpu.memory_space<semaphore_mem>>)
      %parallel_loop3A_114 = arith.constant 0 : i32
      %parallel_loop3A_115 = arith.constant 1024 : i32
      %parallel_loop3A_116 = arith.constant 1 : i32
      scf.for %parallel_loop3A_254 = %parallel_loop3A_114 to %parallel_loop3A_115 step %parallel_loop3A_116  : i32 {
        %parallel_loop3A_255 = arith.constant 16 : i32
        %parallel_loop3A_256 = arith.muli %parallel_loop3A_254, %parallel_loop3A_255 : i32
        %parallel_loop3A_257 = arith.index_cast %parallel_loop3A_256 : i32 to index
        %parallel_loop3A_258 = tpu.vector_load %arg8[%parallel_loop3A_257] {strides = array<i32>} : memref<16384xi32, #tpu.memory_space<vmem>>, vector<16xi32>,
        %parallel_loop3A_259 = arith.constant 76800 : i32
        %parallel_loop3A_260 = vector.broadcast %parallel_loop3A_259 : i32 to vector<16xi32>
        %parallel_loop3A_261 = arith.subi %parallel_loop3A_258, %parallel_loop3A_260 : vector<16xi32>
        %parallel_loop3A_262 = arith.constant 0 : i32
        %parallel_loop3A_263 = arith.constant 23200 : i32
        %parallel_loop3A_264 = vector.broadcast %parallel_loop3A_262 : i32 to vector<16xi32>
        %parallel_loop3A_265 = arith.maxsi %parallel_loop3A_264, %parallel_loop3A_261 : vector<16xi32>
        %parallel_loop3A_266 = vector.broadcast %parallel_loop3A_263 : i32 to vector<16xi32>
        %parallel_loop3A_267 = arith.minsi %parallel_loop3A_266, %parallel_loop3A_265 : vector<16xi32>
        %parallel_loop3A_268 = tpu.vector_load_idx %arg6[%parallel_loop3A_267] : memref<38528xf32, #tpu.memory_space<vmem>>[vector<16xi32>], vector<16xf32>,
        %parallel_loop3A_269 = vector.broadcast %parallel_loop3A_256 : i32 to vector<16xi32>
        %parallel_loop3A_270 = arith.addi %parallel_loop3A_269, %iota3A : vector<16xi32>
        %parallel_loop3A_271 = arith.constant 76800 : i32
        %parallel_loop3A_272 = vector.broadcast %parallel_loop3A_271 : i32 to vector<16xi32>
        %parallel_loop3A_273 = arith.cmpi sge, %parallel_loop3A_258, %parallel_loop3A_272 : vector<16xi32>
        tpu.vector_store_idx %arg9[%parallel_loop3A_270], %parallel_loop3A_268 masked %parallel_loop3A_273 : memref<16384xf32, #tpu.memory_space<vmem>>[vector<16xi32>], vector<16xf32>, vector<16xi1>
      } {sc.loop_unroll_factor = 16 : i64, sc.parallel_access}
      %dma_start3A_117 = arith.constant 0 : i32
      %dma_start3A_118 = tpu.memref_slice %arg5[%add3A_25, %dma_start3A_117] : memref<832x16384xf32, #tpu.memory_space<hbm>> -> memref<1x16384xf32, #tpu.memory_space<hbm>>
      %dma_start3A_119 = tpu.memref_squeeze %dma_start3A_118 : memref<1x16384xf32, #tpu.memory_space<hbm>> -> memref<16384xf32, #tpu.memory_space<hbm>>
      %dma_start3A_120 = arith.constant 0 : i32
      %dma_start3A_121 = tpu.memref_slice %arg5[%add3A_25, %dma_start3A_120] : memref<832x16384xf32, #tpu.memory_space<hbm>> -> memref<1x16384xf32, #tpu.memory_space<hbm>>
      %dma_start3A_122 = tpu.memref_squeeze %dma_start3A_121 : memref<1x16384xf32, #tpu.memory_space<hbm>> -> memref<16384xf32, #tpu.memory_space<hbm>>
      tpu.enqueue_dma source(%arg9 : memref<16384xf32, #tpu.memory_space<vmem>>) target(%dma_start3A_122 : memref<16384xf32, #tpu.memory_space<hbm>>) target_semaphore(%arg13 : memref<!tpu.dma_semaphore, #tpu.memory_space<semaphore_mem>>)
      %dma_wait3A_123 = arith.constant 0 : i32
      %dma_wait3A_124 = tpu.memref_slice %arg7[%dma_wait3A_123] : memref<38528xf32, #tpu.memory_space<vmem>> -> memref<38272xf32, #tpu.memory_space<vmem>>
      %dma_wait3A_125 = arith.constant 0 : i32
      %dma_wait3A_126 = tpu.memref_slice %arg3[%min3A_103, %dma_wait3A_125] : memref<832x100001xf32, #tpu.memory_space<hbm>> -> memref<1x38272xf32, #tpu.memory_space<hbm>>
      %dma_wait3A_127 = tpu.memref_squeeze %dma_wait3A_126 : memref<1x38272xf32, #tpu.memory_space<hbm>> -> memref<38272xf32, #tpu.memory_space<hbm>>
      %dma_wait3A_128 = arith.constant 0 : i32
      %dma_wait3A_129 = tpu.memref_slice %arg7[%dma_wait3A_128] : memref<38528xf32, #tpu.memory_space<vmem>> -> memref<38272xf32, #tpu.memory_space<vmem>>
      %dma_wait3A_130 = arith.constant 0 : i32
      %dma_wait3A_131 = tpu.memref_slice %arg3[%min3A_103, %dma_wait3A_130] : memref<832x100001xf32, #tpu.memory_space<hbm>> -> memref<1x38272xf32, #tpu.memory_space<hbm>>
      %dma_wait3A_132 = tpu.memref_squeeze %dma_wait3A_131 : memref<1x38272xf32, #tpu.memory_space<hbm>> -> memref<38272xf32, #tpu.memory_space<hbm>>
      tpu.wait_dma2 semaphore(%arg12 : memref<!tpu.dma_semaphore, #tpu.memory_space<semaphore_mem>>) src(%dma_wait3A_132 : memref<38272xf32, #tpu.memory_space<hbm>>) dst(%dma_wait3A_129 : memref<38272xf32, #tpu.memory_space<vmem>>)
      %mul3A_133 = arith.constant 2 : i32
      %mul3A_134 = arith.muli %scan3A_20, %mul3A_133 : i32
      %add3A_135 = arith.constant 1 : i32
      %add3A_136 = arith.addi %mul3A_134, %add3A_135 : i32
      %add3A_137 = arith.addi %mul3A_2, %add3A_136 : i32
      %shift_right_logical3A_138 = arith.constant 5 : i32
      %shift_right_logical3A_139 = arith.shrui %add3A_137, %shift_right_logical3A_138 : i32
      %dma_start3A_140 = arith.constant 0 : i32
      %dma_start3A_141 = tpu.memref_slice %arg6[%dma_start3A_140] : memref<38528xf32, #tpu.memory_space<vmem>> -> memref<38528xf32, #tpu.memory_space<vmem>>
      %dma_start3A_142 = arith.constant 38272 : i32
      %dma_start3A_143 = tpu.memref_slice %arg3[%add3A_137, %dma_start3A_142] : memref<832x100001xf32, #tpu.memory_space<hbm>> -> memref<1x38528xf32, #tpu.memory_space<hbm>>
      %dma_start3A_144 = tpu.memref_squeeze %dma_start3A_143 : memref<1x38528xf32, #tpu.memory_space<hbm>> -> memref<38528xf32, #tpu.memory_space<hbm>>
      %dma_start3A_145 = arith.constant 0 : i32
      %dma_start3A_146 = tpu.memref_slice %arg6[%dma_start3A_145] : memref<38528xf32, #tpu.memory_space<vmem>> -> memref<38528xf32, #tpu.memory_space<vmem>>
      %dma_start3A_147 = arith.constant 38272 : i32
      %dma_start3A_148 = tpu.memref_slice %arg3[%add3A_137, %dma_start3A_147] : memref<832x100001xf32, #tpu.memory_space<hbm>> -> memref<1x38528xf32, #tpu.memory_space<hbm>>
      %dma_start3A_149 = tpu.memref_squeeze %dma_start3A_148 : memref<1x38528xf32, #tpu.memory_space<hbm>> -> memref<38528xf32, #tpu.memory_space<hbm>>
      tpu.enqueue_dma source(%dma_start3A_149 : memref<38528xf32, #tpu.memory_space<hbm>>) target(%dma_start3A_146 : memref<38528xf32, #tpu.memory_space<vmem>>) target_semaphore(%arg11 : memref<!tpu.dma_semaphore, #tpu.memory_space<semaphore_mem>>)
      %and3A_150 = arith.constant 31 : i32
      %and3A_151 = arith.andi %add3A_137, %and3A_150 : i32
      %eq3A_152 = arith.constant 0 : i32
      %eq3A_153 = arith.cmpi eq, %and3A_151, %eq3A_152 : i32
      %gt3A_154 = arith.constant 0 : i32
      %gt3A_155 = arith.cmpi sgt, %add3A_136, %gt3A_154 : i32
      %and3A_156 = arith.andi %eq3A_153, %gt3A_155 : i1
      %convert_element_type3A_157 = arith.extui %and3A_156 : i1 to i32
      %cond3A_158 = arith.constant 0 : i32
      %cond3A_159 = arith.cmpi ne, %convert_element_type3A_157, %cond3A_158 : i32
      scf.if %cond3A_159 {
        "tpu.region"() ({
          %run_scoped3A = tpu.sem_alloc : memref<!tpu.dma_semaphore, #tpu.memory_space<semaphore_mem>>
          %dma_start3A_254 = arith.constant 0 : i32
          %dma_start3A_255 = tpu.memref_slice %arg2[%shift_right_logical3A_139, %dma_start3A_254] : memref<26x16384xi32, #tpu.memory_space<hbm>> -> memref<1x16384xi32, #tpu.memory_space<hbm>>
          %dma_start3A_256 = tpu.memref_squeeze %dma_start3A_255 : memref<1x16384xi32, #tpu.memory_space<hbm>> -> memref<16384xi32, #tpu.memory_space<hbm>>
          %dma_start3A_257 = arith.constant 0 : i32
          %dma_start3A_258 = tpu.memref_slice %arg2[%shift_right_logical3A_139, %dma_start3A_257] : memref<26x16384xi32, #tpu.memory_space<hbm>> -> memref<1x16384xi32, #tpu.memory_space<hbm>>
          %dma_start3A_259 = tpu.memref_squeeze %dma_start3A_258 : memref<1x16384xi32, #tpu.memory_space<hbm>> -> memref<16384xi32, #tpu.memory_space<hbm>>
          tpu.enqueue_dma source(%dma_start3A_259 : memref<16384xi32, #tpu.memory_space<hbm>>) target(%arg8 : memref<16384xi32, #tpu.memory_space<vmem>>) target_semaphore(%run_scoped3A : memref<!tpu.dma_semaphore, #tpu.memory_space<semaphore_mem>>)
          %dma_wait3A_260 = arith.constant 0 : i32
          %dma_wait3A_261 = tpu.memref_slice %arg2[%shift_right_logical3A_139, %dma_wait3A_260] : memref<26x16384xi32, #tpu.memory_space<hbm>> -> memref<1x16384xi32, #tpu.memory_space<hbm>>
          %dma_wait3A_262 = tpu.memref_squeeze %dma_wait3A_261 : memref<1x16384xi32, #tpu.memory_space<hbm>> -> memref<16384xi32, #tpu.memory_space<hbm>>
          %dma_wait3A_263 = arith.constant 0 : i32
          %dma_wait3A_264 = tpu.memref_slice %arg2[%shift_right_logical3A_139, %dma_wait3A_263] : memref<26x16384xi32, #tpu.memory_space<hbm>> -> memref<1x16384xi32, #tpu.memory_space<hbm>>
          %dma_wait3A_265 = tpu.memref_squeeze %dma_wait3A_264 : memref<1x16384xi32, #tpu.memory_space<hbm>> -> memref<16384xi32, #tpu.memory_space<hbm>>
          tpu.wait_dma2 semaphore(%run_scoped3A : memref<!tpu.dma_semaphore, #tpu.memory_space<semaphore_mem>>) src(%dma_wait3A_265 : memref<16384xi32, #tpu.memory_space<hbm>>) dst(%arg8 : memref<16384xi32, #tpu.memory_space<vmem>>)
          tpu.yield
        }) : () -> ()
      } else {
      }
      %ge3A_160 = arith.constant 2 : i32
      %ge3A_161 = arith.cmpi sge, %add3A_136, %ge3A_160 : i32
      %convert_element_type3A_162 = arith.extui %ge3A_161 : i1 to i32
      %cond3A_163 = arith.constant 0 : i32
      %cond3A_164 = arith.cmpi ne, %convert_element_type3A_162, %cond3A_163 : i32
      scf.if %cond3A_164 {
        %dma_wait3A_254 = arith.constant 0 : i32
        %dma_wait3A_255 = tpu.memref_slice %arg5[%add3A_137, %dma_wait3A_254] : memref<832x16384xf32, #tpu.memory_space<hbm>> -> memref<1x16384xf32, #tpu.memory_space<hbm>>
        %dma_wait3A_256 = tpu.memref_squeeze %dma_wait3A_255 : memref<1x16384xf32, #tpu.memory_space<hbm>> -> memref<16384xf32, #tpu.memory_space<hbm>>
        %dma_wait3A_257 = arith.constant 0 : i32
        %dma_wait3A_258 = tpu.memref_slice %arg5[%add3A_137, %dma_wait3A_257] : memref<832x16384xf32, #tpu.memory_space<hbm>> -> memref<1x16384xf32, #tpu.memory_space<hbm>>
        %dma_wait3A_259 = tpu.memref_squeeze %dma_wait3A_258 : memref<1x16384xf32, #tpu.memory_space<hbm>> -> memref<16384xf32, #tpu.memory_space<hbm>>
        tpu.wait_dma2 semaphore(%arg14 : memref<!tpu.dma_semaphore, #tpu.memory_space<semaphore_mem>>) src(%arg10 : memref<16384xf32, #tpu.memory_space<vmem>>) dst(%dma_wait3A_259 : memref<16384xf32, #tpu.memory_space<hbm>>)
      } else {
      }
      %parallel_loop3A_165 = arith.constant 0 : i32
      %parallel_loop3A_166 = arith.constant 1024 : i32
      %parallel_loop3A_167 = arith.constant 1 : i32
      scf.for %parallel_loop3A_254 = %parallel_loop3A_165 to %parallel_loop3A_166 step %parallel_loop3A_167  : i32 {
        %parallel_loop3A_255 = arith.constant 16 : i32
        %parallel_loop3A_256 = arith.muli %parallel_loop3A_254, %parallel_loop3A_255 : i32
        %parallel_loop3A_257 = arith.index_cast %parallel_loop3A_256 : i32 to index
        %parallel_loop3A_258 = tpu.vector_load %arg8[%parallel_loop3A_257] {strides = array<i32>} : memref<16384xi32, #tpu.memory_space<vmem>>, vector<16xi32>,
        %parallel_loop3A_259 = arith.constant 38271 : i32
        %parallel_loop3A_260 = vector.broadcast %parallel_loop3A_259 : i32 to vector<16xi32>
        %parallel_loop3A_261 = arith.minsi %parallel_loop3A_258, %parallel_loop3A_260 : vector<16xi32>
        %parallel_loop3A_262 = tpu.vector_load_idx %arg7[%parallel_loop3A_261] : memref<38528xf32, #tpu.memory_space<vmem>>[vector<16xi32>], vector<16xf32>,
        %parallel_loop3A_263 = arith.index_cast %parallel_loop3A_256 : i32 to index
        %parallel_loop3A_264 = tpu.vector_load %arg10[%parallel_loop3A_263] {strides = array<i32>} : memref<16384xf32, #tpu.memory_space<vmem>>, vector<16xf32>,
        tpu.vector_store %arg10[%parallel_loop3A_263], %parallel_loop3A_262 {strides = array<i32>} : memref<16384xf32, #tpu.memory_space<vmem>>, vector<16xf32>,
      } {sc.loop_unroll_factor = 16 : i64, sc.parallel_access}
      %dma_wait3A_168 = arith.constant 0 : i32
      %dma_wait3A_169 = tpu.memref_slice %arg6[%dma_wait3A_168] : memref<38528xf32, #tpu.memory_space<vmem>> -> memref<38528xf32, #tpu.memory_space<vmem>>
      %dma_wait3A_170 = arith.constant 38272 : i32
      %dma_wait3A_171 = tpu.memref_slice %arg3[%add3A_137, %dma_wait3A_170] : memref<832x100001xf32, #tpu.memory_space<hbm>> -> memref<1x38528xf32, #tpu.memory_space<hbm>>
      %dma_wait3A_172 = tpu.memref_squeeze %dma_wait3A_171 : memref<1x38528xf32, #tpu.memory_space<hbm>> -> memref<38528xf32, #tpu.memory_space<hbm>>
      %dma_wait3A_173 = arith.constant 0 : i32
      %dma_wait3A_174 = tpu.memref_slice %arg6[%dma_wait3A_173] : memref<38528xf32, #tpu.memory_space<vmem>> -> memref<38528xf32, #tpu.memory_space<vmem>>
      %dma_wait3A_175 = arith.constant 38272 : i32
      %dma_wait3A_176 = tpu.memref_slice %arg3[%add3A_137, %dma_wait3A_175] : memref<832x100001xf32, #tpu.memory_space<hbm>> -> memref<1x38528xf32, #tpu.memory_space<hbm>>
      %dma_wait3A_177 = tpu.memref_squeeze %dma_wait3A_176 : memref<1x38528xf32, #tpu.memory_space<hbm>> -> memref<38528xf32, #tpu.memory_space<hbm>>
      tpu.wait_dma2 semaphore(%arg11 : memref<!tpu.dma_semaphore, #tpu.memory_space<semaphore_mem>>) src(%dma_wait3A_177 : memref<38528xf32, #tpu.memory_space<hbm>>) dst(%dma_wait3A_174 : memref<38528xf32, #tpu.memory_space<vmem>>)
      %dma_start3A_178 = arith.constant 0 : i32
      %dma_start3A_179 = tpu.memref_slice %arg7[%dma_start3A_178] : memref<38528xf32, #tpu.memory_space<vmem>> -> memref<23040xf32, #tpu.memory_space<vmem>>
      %dma_start3A_180 = arith.constant 76800 : i32
      %dma_start3A_181 = tpu.memref_slice %arg3[%add3A_137, %dma_start3A_180] : memref<832x100001xf32, #tpu.memory_space<hbm>> -> memref<1x23040xf32, #tpu.memory_space<hbm>>
      %dma_start3A_182 = tpu.memref_squeeze %dma_start3A_181 : memref<1x23040xf32, #tpu.memory_space<hbm>> -> memref<23040xf32, #tpu.memory_space<hbm>>
      %dma_start3A_183 = arith.constant 0 : i32
      %dma_start3A_184 = tpu.memref_slice %arg7[%dma_start3A_183] : memref<38528xf32, #tpu.memory_space<vmem>> -> memref<23040xf32, #tpu.memory_space<vmem>>
      %dma_start3A_185 = arith.constant 76800 : i32
      %dma_start3A_186 = tpu.memref_slice %arg3[%add3A_137, %dma_start3A_185] : memref<832x100001xf32, #tpu.memory_space<hbm>> -> memref<1x23040xf32, #tpu.memory_space<hbm>>
      %dma_start3A_187 = tpu.memref_squeeze %dma_start3A_186 : memref<1x23040xf32, #tpu.memory_space<hbm>> -> memref<23040xf32, #tpu.memory_space<hbm>>
      tpu.enqueue_dma source(%dma_start3A_187 : memref<23040xf32, #tpu.memory_space<hbm>>) target(%dma_start3A_184 : memref<23040xf32, #tpu.memory_space<vmem>>) target_semaphore(%arg12 : memref<!tpu.dma_semaphore, #tpu.memory_space<semaphore_mem>>)
      %dma_start3A_188 = arith.constant 23040 : i32
      %dma_start3A_189 = tpu.memref_slice %arg7[%dma_start3A_188] : memref<38528xf32, #tpu.memory_space<vmem>> -> memref<256xf32, #tpu.memory_space<vmem>>
      %dma_start3A_190 = arith.constant 0 : i32
      %dma_start3A_191 = tpu.memref_slice %arg4[%add3A_137, %dma_start3A_190] : memref<832x256xf32, #tpu.memory_space<hbm>> -> memref<1x256xf32, #tpu.memory_space<hbm>>
      %dma_start3A_192 = tpu.memref_squeeze %dma_start3A_191 : memref<1x256xf32, #tpu.memory_space<hbm>> -> memref<256xf32, #tpu.memory_space<hbm>>
      %dma_start3A_193 = arith.constant 23040 : i32
      %dma_start3A_194 = tpu.memref_slice %arg7[%dma_start3A_193] : memref<38528xf32, #tpu.memory_space<vmem>> -> memref<256xf32, #tpu.memory_space<vmem>>
      %dma_start3A_195 = arith.constant 0 : i32
      %dma_start3A_196 = tpu.memref_slice %arg4[%add3A_137, %dma_start3A_195] : memref<832x256xf32, #tpu.memory_space<hbm>> -> memref<1x256xf32, #tpu.memory_space<hbm>>
      %dma_start3A_197 = tpu.memref_squeeze %dma_start3A_196 : memref<1x256xf32, #tpu.memory_space<hbm>> -> memref<256xf32, #tpu.memory_space<hbm>>
      tpu.enqueue_dma source(%dma_start3A_197 : memref<256xf32, #tpu.memory_space<hbm>>) target(%dma_start3A_194 : memref<256xf32, #tpu.memory_space<vmem>>) target_semaphore(%arg12 : memref<!tpu.dma_semaphore, #tpu.memory_space<semaphore_mem>>)
      %parallel_loop3A_198 = arith.constant 0 : i32
      %parallel_loop3A_199 = arith.constant 1024 : i32
      %parallel_loop3A_200 = arith.constant 1 : i32
      scf.for %parallel_loop3A_254 = %parallel_loop3A_198 to %parallel_loop3A_199 step %parallel_loop3A_200  : i32 {
        %parallel_loop3A_255 = arith.constant 16 : i32
        %parallel_loop3A_256 = arith.muli %parallel_loop3A_254, %parallel_loop3A_255 : i32
        %parallel_loop3A_257 = arith.index_cast %parallel_loop3A_256 : i32 to index
        %parallel_loop3A_258 = tpu.vector_load %arg8[%parallel_loop3A_257] {strides = array<i32>} : memref<16384xi32, #tpu.memory_space<vmem>>, vector<16xi32>,
        %parallel_loop3A_259 = arith.constant 38272 : i32
        %parallel_loop3A_260 = vector.broadcast %parallel_loop3A_259 : i32 to vector<16xi32>
        %parallel_loop3A_261 = arith.subi %parallel_loop3A_258, %parallel_loop3A_260 : vector<16xi32>
        %parallel_loop3A_262 = arith.constant 0 : i32
        %parallel_loop3A_263 = arith.constant 38527 : i32
        %parallel_loop3A_264 = vector.broadcast %parallel_loop3A_262 : i32 to vector<16xi32>
        %parallel_loop3A_265 = arith.maxsi %parallel_loop3A_264, %parallel_loop3A_261 : vector<16xi32>
        %parallel_loop3A_266 = vector.broadcast %parallel_loop3A_263 : i32 to vector<16xi32>
        %parallel_loop3A_267 = arith.minsi %parallel_loop3A_266, %parallel_loop3A_265 : vector<16xi32>
        %parallel_loop3A_268 = tpu.vector_load_idx %arg6[%parallel_loop3A_267] : memref<38528xf32, #tpu.memory_space<vmem>>[vector<16xi32>], vector<16xf32>,
        %parallel_loop3A_269 = vector.broadcast %parallel_loop3A_256 : i32 to vector<16xi32>
        %parallel_loop3A_270 = arith.addi %parallel_loop3A_269, %iota3A : vector<16xi32>
        %parallel_loop3A_271 = arith.constant 38272 : i32
        %parallel_loop3A_272 = vector.broadcast %parallel_loop3A_271 : i32 to vector<16xi32>
        %parallel_loop3A_273 = arith.cmpi sge, %parallel_loop3A_258, %parallel_loop3A_272 : vector<16xi32>
        tpu.vector_store_idx %arg10[%parallel_loop3A_270], %parallel_loop3A_268 masked %parallel_loop3A_273 : memref<16384xf32, #tpu.memory_space<vmem>>[vector<16xi32>], vector<16xf32>, vector<16xi1>
      } {sc.loop_unroll_factor = 16 : i64, sc.parallel_access}
      %dma_wait3A_201 = arith.constant 0 : i32
      %dma_wait3A_202 = tpu.memref_slice %arg7[%dma_wait3A_201] : memref<38528xf32, #tpu.memory_space<vmem>> -> memref<23040xf32, #tpu.memory_space<vmem>>
      %dma_wait3A_203 = arith.constant 76800 : i32
      %dma_wait3A_204 = tpu.memref_slice %arg3[%add3A_137, %dma_wait3A_203] : memref<832x100001xf32, #tpu.memory_space<hbm>> -> memref<1x23040xf32, #tpu.memory_space<hbm>>
      %dma_wait3A_205 = tpu.memref_squeeze %dma_wait3A_204 : memref<1x23040xf32, #tpu.memory_space<hbm>> -> memref<23040xf32, #tpu.memory_space<hbm>>
      %dma_wait3A_206 = arith.constant 0 : i32
      %dma_wait3A_207 = tpu.memref_slice %arg7[%dma_wait3A_206] : memref<38528xf32, #tpu.memory_space<vmem>> -> memref<23040xf32, #tpu.memory_space<vmem>>
      %dma_wait3A_208 = arith.constant 76800 : i32
      %dma_wait3A_209 = tpu.memref_slice %arg3[%add3A_137, %dma_wait3A_208] : memref<832x100001xf32, #tpu.memory_space<hbm>> -> memref<1x23040xf32, #tpu.memory_space<hbm>>
      %dma_wait3A_210 = tpu.memref_squeeze %dma_wait3A_209 : memref<1x23040xf32, #tpu.memory_space<hbm>> -> memref<23040xf32, #tpu.memory_space<hbm>>
      tpu.wait_dma2 semaphore(%arg12 : memref<!tpu.dma_semaphore, #tpu.memory_space<semaphore_mem>>) src(%dma_wait3A_210 : memref<23040xf32, #tpu.memory_space<hbm>>) dst(%dma_wait3A_207 : memref<23040xf32, #tpu.memory_space<vmem>>)
      %dma_wait3A_211 = arith.constant 23040 : i32
      %dma_wait3A_212 = tpu.memref_slice %arg7[%dma_wait3A_211] : memref<38528xf32, #tpu.memory_space<vmem>> -> memref<256xf32, #tpu.memory_space<vmem>>
      %dma_wait3A_213 = arith.constant 0 : i32
      %dma_wait3A_214 = tpu.memref_slice %arg4[%add3A_137, %dma_wait3A_213] : memref<832x256xf32, #tpu.memory_space<hbm>> -> memref<1x256xf32, #tpu.memory_space<hbm>>
      %dma_wait3A_215 = tpu.memref_squeeze %dma_wait3A_214 : memref<1x256xf32, #tpu.memory_space<hbm>> -> memref<256xf32, #tpu.memory_space<hbm>>
      %dma_wait3A_216 = arith.constant 23040 : i32
      %dma_wait3A_217 = tpu.memref_slice %arg7[%dma_wait3A_216] : memref<38528xf32, #tpu.memory_space<vmem>> -> memref<256xf32, #tpu.memory_space<vmem>>
      %dma_wait3A_218 = arith.constant 0 : i32
      %dma_wait3A_219 = tpu.memref_slice %arg4[%add3A_137, %dma_wait3A_218] : memref<832x256xf32, #tpu.memory_space<hbm>> -> memref<1x256xf32, #tpu.memory_space<hbm>>
      %dma_wait3A_220 = tpu.memref_squeeze %dma_wait3A_219 : memref<1x256xf32, #tpu.memory_space<hbm>> -> memref<256xf32, #tpu.memory_space<hbm>>
      tpu.wait_dma2 semaphore(%arg12 : memref<!tpu.dma_semaphore, #tpu.memory_space<semaphore_mem>>) src(%dma_wait3A_220 : memref<256xf32, #tpu.memory_space<hbm>>) dst(%dma_wait3A_217 : memref<256xf32, #tpu.memory_space<vmem>>)
      %add3A_221 = arith.constant 1 : i32
      %add3A_222 = arith.addi %add3A_137, %add3A_221 : i32
      %min3A_223 = arith.constant 831 : i32
      %min3A_224 = arith.minsi %add3A_222, %min3A_223 : i32
      %dma_start3A_225 = arith.constant 0 : i32
      %dma_start3A_226 = tpu.memref_slice %arg6[%dma_start3A_225] : memref<38528xf32, #tpu.memory_space<vmem>> -> memref<38272xf32, #tpu.memory_space<vmem>>
      %dma_start3A_227 = arith.constant 0 : i32
      %dma_start3A_228 = tpu.memref_slice %arg3[%min3A_224, %dma_start3A_227] : memref<832x100001xf32, #tpu.memory_space<hbm>> -> memref<1x38272xf32, #tpu.memory_space<hbm>>
      %dma_start3A_229 = tpu.memref_squeeze %dma_start3A_228 : memref<1x38272xf32, #tpu.memory_space<hbm>> -> memref<38272xf32, #tpu.memory_space<hbm>>
      %dma_start3A_230 = arith.constant 0 : i32
      %dma_start3A_231 = tpu.memref_slice %arg6[%dma_start3A_230] : memref<38528xf32, #tpu.memory_space<vmem>> -> memref<38272xf32, #tpu.memory_space<vmem>>
      %dma_start3A_232 = arith.constant 0 : i32
      %dma_start3A_233 = tpu.memref_slice %arg3[%min3A_224, %dma_start3A_232] : memref<832x100001xf32, #tpu.memory_space<hbm>> -> memref<1x38272xf32, #tpu.memory_space<hbm>>
      %dma_start3A_234 = tpu.memref_squeeze %dma_start3A_233 : memref<1x38272xf32, #tpu.memory_space<hbm>> -> memref<38272xf32, #tpu.memory_space<hbm>>
      tpu.enqueue_dma source(%dma_start3A_234 : memref<38272xf32, #tpu.memory_space<hbm>>) target(%dma_start3A_231 : memref<38272xf32, #tpu.memory_space<vmem>>) target_semaphore(%arg11 : memref<!tpu.dma_semaphore, #tpu.memory_space<semaphore_mem>>)
      %parallel_loop3A_235 = arith.constant 0 : i32
      %parallel_loop3A_236 = arith.constant 1024 : i32
      %parallel_loop3A_237 = arith.constant 1 : i32
      scf.for %parallel_loop3A_254 = %parallel_loop3A_235 to %parallel_loop3A_236 step %parallel_loop3A_237  : i32 {
        %parallel_loop3A_255 = arith.constant 16 : i32
        %parallel_loop3A_256 = arith.muli %parallel_loop3A_254, %parallel_loop3A_255 : i32
        %parallel_loop3A_257 = arith.index_cast %parallel_loop3A_256 : i32 to index
        %parallel_loop3A_258 = tpu.vector_load %arg8[%parallel_loop3A_257] {strides = array<i32>} : memref<16384xi32, #tpu.memory_space<vmem>>, vector<16xi32>,
        %parallel_loop3A_259 = arith.constant 76800 : i32
        %parallel_loop3A_260 = vector.broadcast %parallel_loop3A_259 : i32 to vector<16xi32>
        %parallel_loop3A_261 = arith.subi %parallel_loop3A_258, %parallel_loop3A_260 : vector<16xi32>
        %parallel_loop3A_262 = arith.constant 0 : i32
        %parallel_loop3A_263 = arith.constant 23200 : i32
        %parallel_loop3A_264 = vector.broadcast %parallel_loop3A_262 : i32 to vector<16xi32>
        %parallel_loop3A_265 = arith.maxsi %parallel_loop3A_264, %parallel_loop3A_261 : vector<16xi32>
        %parallel_loop3A_266 = vector.broadcast %parallel_loop3A_263 : i32 to vector<16xi32>
        %parallel_loop3A_267 = arith.minsi %parallel_loop3A_266, %parallel_loop3A_265 : vector<16xi32>
        %parallel_loop3A_268 = tpu.vector_load_idx %arg7[%parallel_loop3A_267] : memref<38528xf32, #tpu.memory_space<vmem>>[vector<16xi32>], vector<16xf32>,
        %parallel_loop3A_269 = vector.broadcast %parallel_loop3A_256 : i32 to vector<16xi32>
        %parallel_loop3A_270 = arith.addi %parallel_loop3A_269, %iota3A : vector<16xi32>
        %parallel_loop3A_271 = arith.constant 76800 : i32
        %parallel_loop3A_272 = vector.broadcast %parallel_loop3A_271 : i32 to vector<16xi32>
        %parallel_loop3A_273 = arith.cmpi sge, %parallel_loop3A_258, %parallel_loop3A_272 : vector<16xi32>
        tpu.vector_store_idx %arg10[%parallel_loop3A_270], %parallel_loop3A_268 masked %parallel_loop3A_273 : memref<16384xf32, #tpu.memory_space<vmem>>[vector<16xi32>], vector<16xf32>, vector<16xi1>
      } {sc.loop_unroll_factor = 16 : i64, sc.parallel_access}
      %dma_start3A_238 = arith.constant 0 : i32
      %dma_start3A_239 = tpu.memref_slice %arg5[%add3A_137, %dma_start3A_238] : memref<832x16384xf32, #tpu.memory_space<hbm>> -> memref<1x16384xf32, #tpu.memory_space<hbm>>
      %dma_start3A_240 = tpu.memref_squeeze %dma_start3A_239 : memref<1x16384xf32, #tpu.memory_space<hbm>> -> memref<16384xf32, #tpu.memory_space<hbm>>
      %dma_start3A_241 = arith.constant 0 : i32
      %dma_start3A_242 = tpu.memref_slice %arg5[%add3A_137, %dma_start3A_241] : memref<832x16384xf32, #tpu.memory_space<hbm>> -> memref<1x16384xf32, #tpu.memory_space<hbm>>
      %dma_start3A_243 = tpu.memref_squeeze %dma_start3A_242 : memref<1x16384xf32, #tpu.memory_space<hbm>> -> memref<16384xf32, #tpu.memory_space<hbm>>
      tpu.enqueue_dma source(%arg10 : memref<16384xf32, #tpu.memory_space<vmem>>) target(%dma_start3A_243 : memref<16384xf32, #tpu.memory_space<hbm>>) target_semaphore(%arg14 : memref<!tpu.dma_semaphore, #tpu.memory_space<semaphore_mem>>)
      %dma_wait3A_244 = arith.constant 0 : i32
      %dma_wait3A_245 = tpu.memref_slice %arg6[%dma_wait3A_244] : memref<38528xf32, #tpu.memory_space<vmem>> -> memref<38272xf32, #tpu.memory_space<vmem>>
      %dma_wait3A_246 = arith.constant 0 : i32
      %dma_wait3A_247 = tpu.memref_slice %arg3[%min3A_224, %dma_wait3A_246] : memref<832x100001xf32, #tpu.memory_space<hbm>> -> memref<1x38272xf32, #tpu.memory_space<hbm>>
      %dma_wait3A_248 = tpu.memref_squeeze %dma_wait3A_247 : memref<1x38272xf32, #tpu.memory_space<hbm>> -> memref<38272xf32, #tpu.memory_space<hbm>>
      %dma_wait3A_249 = arith.constant 0 : i32
      %dma_wait3A_250 = tpu.memref_slice %arg6[%dma_wait3A_249] : memref<38528xf32, #tpu.memory_space<vmem>> -> memref<38272xf32, #tpu.memory_space<vmem>>
      %dma_wait3A_251 = arith.constant 0 : i32
      %dma_wait3A_252 = tpu.memref_slice %arg3[%min3A_224, %dma_wait3A_251] : memref<832x100001xf32, #tpu.memory_space<hbm>> -> memref<1x38272xf32, #tpu.memory_space<hbm>>
      %dma_wait3A_253 = tpu.memref_squeeze %dma_wait3A_252 : memref<1x38272xf32, #tpu.memory_space<hbm>> -> memref<38272xf32, #tpu.memory_space<hbm>>
      tpu.wait_dma2 semaphore(%arg11 : memref<!tpu.dma_semaphore, #tpu.memory_space<semaphore_mem>>) src(%dma_wait3A_253 : memref<38272xf32, #tpu.memory_space<hbm>>) dst(%dma_wait3A_250 : memref<38272xf32, #tpu.memory_space<vmem>>)
    }
    %scan3A_8 = arith.constant 13 : i32
    %dma_wait3A = arith.constant 0 : i32
    %dma_wait3A_9 = tpu.memref_slice %arg5[%mul3A_2, %dma_wait3A] : memref<832x16384xf32, #tpu.memory_space<hbm>> -> memref<1x16384xf32, #tpu.memory_space<hbm>>
    %dma_wait3A_10 = tpu.memref_squeeze %dma_wait3A_9 : memref<1x16384xf32, #tpu.memory_space<hbm>> -> memref<16384xf32, #tpu.memory_space<hbm>>
    %dma_wait3A_11 = arith.constant 0 : i32
    %dma_wait3A_12 = tpu.memref_slice %arg5[%mul3A_2, %dma_wait3A_11] : memref<832x16384xf32, #tpu.memory_space<hbm>> -> memref<1x16384xf32, #tpu.memory_space<hbm>>
    %dma_wait3A_13 = tpu.memref_squeeze %dma_wait3A_12 : memref<1x16384xf32, #tpu.memory_space<hbm>> -> memref<16384xf32, #tpu.memory_space<hbm>>
    tpu.wait_dma2 semaphore(%arg13 : memref<!tpu.dma_semaphore, #tpu.memory_space<semaphore_mem>>) src(%arg9 : memref<16384xf32, #tpu.memory_space<vmem>>) dst(%dma_wait3A_13 : memref<16384xf32, #tpu.memory_space<hbm>>)
    %dma_wait3A_14 = arith.constant 0 : i32
    %dma_wait3A_15 = tpu.memref_slice %arg5[%mul3A_2, %dma_wait3A_14] : memref<832x16384xf32, #tpu.memory_space<hbm>> -> memref<1x16384xf32, #tpu.memory_space<hbm>>
    %dma_wait3A_16 = tpu.memref_squeeze %dma_wait3A_15 : memref<1x16384xf32, #tpu.memory_space<hbm>> -> memref<16384xf32, #tpu.memory_space<hbm>>
    %dma_wait3A_17 = arith.constant 0 : i32
    %dma_wait3A_18 = tpu.memref_slice %arg5[%mul3A_2, %dma_wait3A_17] : memref<832x16384xf32, #tpu.memory_space<hbm>> -> memref<1x16384xf32, #tpu.memory_space<hbm>>
    %dma_wait3A_19 = tpu.memref_squeeze %dma_wait3A_18 : memref<1x16384xf32, #tpu.memory_space<hbm>> -> memref<16384xf32, #tpu.memory_space<hbm>>
    tpu.wait_dma2 semaphore(%arg14 : memref<!tpu.dma_semaphore, #tpu.memory_space<semaphore_mem>>) src(%arg10 : memref<16384xf32, #tpu.memory_space<vmem>>) dst(%dma_wait3A_19 : memref<16384xf32, #tpu.memory_space<hbm>>)
    return
  }
}

module attributes {stable_mosaic.version = 14 : i64} {
  func.func @_mlp_body(%arg0: i32, %arg1: memref<13x2048xf32, #tpu.memory_space<vmem>>, %arg2: memref<832x2048xf32, #tpu.memory_space<vmem>>, %arg3: memref<32x13xf32, #tpu.memory_space<vmem>>, %arg4: memref<32x1xf32, #tpu.memory_space<vmem>>, %arg5: memref<32x1xf32, #tpu.memory_space<vmem>>, %arg6: memref<32x1xf32, #tpu.memory_space<vmem>>, %arg7: memref<64x32xf32, #tpu.memory_space<vmem>>, %arg8: memref<64x832xf32, #tpu.memory_space<vmem>>, %arg9: memref<64x1xf32, #tpu.memory_space<vmem>>, %arg10: memref<32x64xf32, #tpu.memory_space<vmem>>, %arg11: memref<32x1xf32, #tpu.memory_space<vmem>>, %arg12: memref<32x2048xf32, #tpu.memory_space<vmem>>) attributes {dimension_semantics = [#tpu.dimension_semantics<arbitrary>], iteration_bounds = array<i64: 8>, scalar_prefetch = 0 : i64, scratch_operands = 0 : i64, tpu.core_type = #tpu.core_type<tc>, window_params = [{transform_indices = @transform_0, window_bounds = array<i64: 13, 2048>}, {transform_indices = @transform_1, window_bounds = array<i64: 832, 2048>}, {pipeline_mode = #tpu.pipeline_mode<synchronous>, transform_indices = @transform_2, window_bounds = array<i64: 32, 13>}, {pipeline_mode = #tpu.pipeline_mode<synchronous>, transform_indices = @transform_3, window_bounds = array<i64: 32, 1>}, {pipeline_mode = #tpu.pipeline_mode<synchronous>, transform_indices = @transform_4, window_bounds = array<i64: 32, 1>}, {pipeline_mode = #tpu.pipeline_mode<synchronous>, transform_indices = @transform_5, window_bounds = array<i64: 32, 1>}, {pipeline_mode = #tpu.pipeline_mode<synchronous>, transform_indices = @transform_6, window_bounds = array<i64: 64, 32>}, {pipeline_mode = #tpu.pipeline_mode<synchronous>, transform_indices = @transform_7, window_bounds = array<i64: 64, 832>}, {pipeline_mode = #tpu.pipeline_mode<synchronous>, transform_indices = @transform_8, window_bounds = array<i64: 64, 1>}, {pipeline_mode = #tpu.pipeline_mode<synchronous>, transform_indices = @transform_9, window_bounds = array<i64: 32, 64>}, {pipeline_mode = #tpu.pipeline_mode<synchronous>, transform_indices = @transform_10, window_bounds = array<i64: 32, 1>}, {transform_indices = @transform_11, window_bounds = array<i64: 32, 2048>}]} {
    %get3A = arith.constant 0 : index
    %get3A_0 = arith.constant 0 : index
    %get3A_1 = vector.load %arg3[%get3A, %get3A_0] : memref<32x13xf32, #tpu.memory_space<vmem>>, vector<32x13xf32>
    %get3A_2 = arith.constant 0 : index
    %get3A_3 = arith.constant 0 : index
    %get3A_4 = vector.load %arg1[%get3A_2, %get3A_3] : memref<13x2048xf32, #tpu.memory_space<vmem>>, vector<13x2048xf32>
    %dot_general3A = arith.constant dense<0.000000e+00> : vector<32x2048xf32>
    %dot_general3A_5 = tpu.matmul %get3A_1, %get3A_4, %dot_general3A {dimension_numbers = #tpu.dot_dimension_numbers<[1], [0], [0], [1], [0, 0, 1, 1], [], []>, transpose_lhs_hint = false} : vector<32x13xf32>, vector<13x2048xf32>, vector<32x2048xf32> -> vector<32x2048xf32>
    %get3A_6 = arith.constant 0 : index
    %get3A_7 = arith.constant 0 : index
    %get3A_8 = vector.load %arg4[%get3A_6, %get3A_7] : memref<32x1xf32, #tpu.memory_space<vmem>>, vector<32x1xf32>
    %add3A = vector.broadcast %get3A_8 : vector<32x1xf32> to vector<32x2048xf32>
    %add3A_9 = arith.addf %dot_general3A_5, %add3A : vector<32x2048xf32>
    %reduce_sum3A = arith.constant dense<0.000000e+00> : vector<2048xf32>
    %reduce_sum3A_10 = vector.multi_reduction <add>, %add3A_9, %reduce_sum3A [0] : vector<32x2048xf32> to vector<2048xf32>
    %broadcast_in_dim3A = vector.shape_cast %reduce_sum3A_10 : vector<2048xf32> to vector<1x2048xf32>
    %div3A = arith.constant 3.200000e+01 : f32
    %div3A_11 = vector.broadcast %div3A : f32 to vector<1x2048xf32>
    %div3A_12 = arith.divf %broadcast_in_dim3A, %div3A_11 : vector<1x2048xf32>
    %sub3A = vector.broadcast %div3A_12 : vector<1x2048xf32> to vector<32x2048xf32>
    %sub3A_13 = arith.subf %add3A_9, %sub3A : vector<32x2048xf32>
    %sub3A_14 = vector.broadcast %div3A_12 : vector<1x2048xf32> to vector<32x2048xf32>
    %sub3A_15 = arith.subf %add3A_9, %sub3A_14 : vector<32x2048xf32>
    %mul3A = arith.mulf %sub3A_13, %sub3A_15 : vector<32x2048xf32>
    %reduce_sum3A_16 = arith.constant dense<0.000000e+00> : vector<2048xf32>
    %reduce_sum3A_17 = vector.multi_reduction <add>, %mul3A, %reduce_sum3A_16 [0] : vector<32x2048xf32> to vector<2048xf32>
    %broadcast_in_dim3A_18 = vector.shape_cast %reduce_sum3A_17 : vector<2048xf32> to vector<1x2048xf32>
    %div3A_19 = arith.constant 3.200000e+01 : f32
    %div3A_20 = vector.broadcast %div3A_19 : f32 to vector<1x2048xf32>
    %div3A_21 = arith.divf %broadcast_in_dim3A_18, %div3A_20 : vector<1x2048xf32>
    %sub3A_22 = vector.broadcast %div3A_12 : vector<1x2048xf32> to vector<32x2048xf32>
    %sub3A_23 = arith.subf %add3A_9, %sub3A_22 : vector<32x2048xf32>
    %add3A_24 = arith.constant 9.99999974E-6 : f32
    %add3A_25 = vector.broadcast %add3A_24 : f32 to vector<1x2048xf32>
    %add3A_26 = arith.addf %div3A_21, %add3A_25 : vector<1x2048xf32>
    %rsqrt3A = math.rsqrt %add3A_26 : vector<1x2048xf32>
    %mul3A_27 = vector.broadcast %rsqrt3A : vector<1x2048xf32> to vector<32x2048xf32>
    %mul3A_28 = arith.mulf %sub3A_23, %mul3A_27 : vector<32x2048xf32>
    %get3A_29 = arith.constant 0 : index
    %get3A_30 = arith.constant 0 : index
    %get3A_31 = vector.load %arg5[%get3A_29, %get3A_30] : memref<32x1xf32, #tpu.memory_space<vmem>>, vector<32x1xf32>
    %mul3A_32 = vector.broadcast %get3A_31 : vector<32x1xf32> to vector<32x2048xf32>
    %mul3A_33 = arith.mulf %mul3A_28, %mul3A_32 : vector<32x2048xf32>
    %get3A_34 = arith.constant 0 : index
    %get3A_35 = arith.constant 0 : index
    %get3A_36 = vector.load %arg6[%get3A_34, %get3A_35] : memref<32x1xf32, #tpu.memory_space<vmem>>, vector<32x1xf32>
    %add3A_37 = vector.broadcast %get3A_36 : vector<32x1xf32> to vector<32x2048xf32>
    %add3A_38 = arith.addf %mul3A_33, %add3A_37 : vector<32x2048xf32>
    %neg3A = arith.constant 0.000000e+00 : f32
    %neg3A_39 = vector.broadcast %neg3A : f32 to vector<32x2048xf32>
    %neg3A_40 = arith.subf %neg3A_39, %add3A_38 : vector<32x2048xf32>
    %exp3A = math.exp %neg3A_40 : vector<32x2048xf32>
    %add3A_41 = arith.constant 1.000000e+00 : f32
    %add3A_42 = vector.broadcast %add3A_41 : f32 to vector<32x2048xf32>
    %add3A_43 = arith.addf %add3A_42, %exp3A : vector<32x2048xf32>
    %div3A_44 = arith.constant 1.000000e+00 : f32
    %div3A_45 = vector.broadcast %div3A_44 : f32 to vector<32x2048xf32>
    %div3A_46 = arith.divf %div3A_45, %add3A_43 : vector<32x2048xf32>
    %mul3A_47 = arith.mulf %add3A_38, %div3A_46 : vector<32x2048xf32>
    %get3A_48 = arith.constant 0 : index
    %get3A_49 = arith.constant 0 : index
    %get3A_50 = vector.load %arg7[%get3A_48, %get3A_49] : memref<64x32xf32, #tpu.memory_space<vmem>>, vector<64x32xf32>
    %dot_general3A_51 = arith.constant dense<0.000000e+00> : vector<64x2048xf32>
    %dot_general3A_52 = tpu.matmul %get3A_50, %mul3A_47, %dot_general3A_51 {dimension_numbers = #tpu.dot_dimension_numbers<[1], [0], [0], [1], [0, 0, 1, 1], [], []>, transpose_lhs_hint = false} : vector<64x32xf32>, vector<32x2048xf32>, vector<64x2048xf32> -> vector<64x2048xf32>
    %get3A_53 = arith.constant 0 : index
    %get3A_54 = arith.constant 0 : index
    %get3A_55 = vector.load %arg8[%get3A_53, %get3A_54] : memref<64x832xf32, #tpu.memory_space<vmem>>, vector<64x832xf32>
    %get3A_56 = arith.constant 0 : index
    %get3A_57 = arith.constant 0 : index
    %get3A_58 = vector.load %arg2[%get3A_56, %get3A_57] : memref<832x2048xf32, #tpu.memory_space<vmem>>, vector<832x2048xf32>
    %dot_general3A_59 = arith.constant dense<0.000000e+00> : vector<64x2048xf32>
    %dot_general3A_60 = tpu.matmul %get3A_55, %get3A_58, %dot_general3A_59 {dimension_numbers = #tpu.dot_dimension_numbers<[1], [0], [0], [1], [0, 0, 1, 1], [], []>, transpose_lhs_hint = false} : vector<64x832xf32>, vector<832x2048xf32>, vector<64x2048xf32> -> vector<64x2048xf32>
    %add3A_61 = arith.addf %dot_general3A_52, %dot_general3A_60 : vector<64x2048xf32>
    %get3A_62 = arith.constant 0 : index
    %get3A_63 = arith.constant 0 : index
    %get3A_64 = vector.load %arg9[%get3A_62, %get3A_63] : memref<64x1xf32, #tpu.memory_space<vmem>>, vector<64x1xf32>
    %add3A_65 = vector.broadcast %get3A_64 : vector<64x1xf32> to vector<64x2048xf32>
    %add3A_66 = arith.addf %add3A_61, %add3A_65 : vector<64x2048xf32>
    %neg3A_67 = arith.constant 0.000000e+00 : f32
    %neg3A_68 = vector.broadcast %neg3A_67 : f32 to vector<64x2048xf32>
    %neg3A_69 = arith.subf %neg3A_68, %add3A_66 : vector<64x2048xf32>
    %exp3A_70 = math.exp %neg3A_69 : vector<64x2048xf32>
    %add3A_71 = arith.constant 1.000000e+00 : f32
    %add3A_72 = vector.broadcast %add3A_71 : f32 to vector<64x2048xf32>
    %add3A_73 = arith.addf %add3A_72, %exp3A_70 : vector<64x2048xf32>
    %div3A_74 = arith.constant 1.000000e+00 : f32
    %div3A_75 = vector.broadcast %div3A_74 : f32 to vector<64x2048xf32>
    %div3A_76 = arith.divf %div3A_75, %add3A_73 : vector<64x2048xf32>
    %mul3A_77 = arith.mulf %add3A_66, %div3A_76 : vector<64x2048xf32>
    %get3A_78 = arith.constant 0 : index
    %get3A_79 = arith.constant 0 : index
    %get3A_80 = vector.load %arg10[%get3A_78, %get3A_79] : memref<32x64xf32, #tpu.memory_space<vmem>>, vector<32x64xf32>
    %dot_general3A_81 = arith.constant dense<0.000000e+00> : vector<32x2048xf32>
    %dot_general3A_82 = tpu.matmul %get3A_80, %mul3A_77, %dot_general3A_81 {dimension_numbers = #tpu.dot_dimension_numbers<[1], [0], [0], [1], [0, 0, 1, 1], [], []>, transpose_lhs_hint = false} : vector<32x64xf32>, vector<64x2048xf32>, vector<32x2048xf32> -> vector<32x2048xf32>
    %get3A_83 = arith.constant 0 : index
    %get3A_84 = arith.constant 0 : index
    %get3A_85 = vector.load %arg11[%get3A_83, %get3A_84] : memref<32x1xf32, #tpu.memory_space<vmem>>, vector<32x1xf32>
    %add3A_86 = vector.broadcast %get3A_85 : vector<32x1xf32> to vector<32x2048xf32>
    %add3A_87 = arith.addf %dot_general3A_82, %add3A_86 : vector<32x2048xf32>
    %neg3A_88 = arith.constant 0.000000e+00 : f32
    %neg3A_89 = vector.broadcast %neg3A_88 : f32 to vector<32x2048xf32>
    %neg3A_90 = arith.subf %neg3A_89, %add3A_87 : vector<32x2048xf32>
    %exp3A_91 = math.exp %neg3A_90 : vector<32x2048xf32>
    %add3A_92 = arith.constant 1.000000e+00 : f32
    %add3A_93 = vector.broadcast %add3A_92 : f32 to vector<32x2048xf32>
    %add3A_94 = arith.addf %add3A_93, %exp3A_91 : vector<32x2048xf32>
    %div3A_95 = arith.constant 1.000000e+00 : f32
    %div3A_96 = vector.broadcast %div3A_95 : f32 to vector<32x2048xf32>
    %div3A_97 = arith.divf %div3A_96, %add3A_94 : vector<32x2048xf32>
    %mul3A_98 = arith.mulf %add3A_87, %div3A_97 : vector<32x2048xf32>
    %swap3A = arith.constant 0 : index
    %swap3A_99 = arith.constant 0 : index
    %swap3A_100 = vector.load %arg12[%swap3A, %swap3A_99] : memref<32x2048xf32, #tpu.memory_space<vmem>>, vector<32x2048xf32>
    tpu.vector_store %arg12[%swap3A, %swap3A_99], %mul3A_98 {strides = array<i32>} : memref<32x2048xf32, #tpu.memory_space<vmem>>, vector<32x2048xf32>,
    return
  }
  func.func @transform_0(%arg0: i32) -> (i32, i32) {
    %c0_i32 = arith.constant 0 : i32
    %c0_i32_0 = arith.constant 0 : i32
    return %c0_i32, %arg0 : i32, i32
  }
  func.func @transform_1(%arg0: i32) -> (i32, i32) {
    %c0_i32 = arith.constant 0 : i32
    %c0_i32_0 = arith.constant 0 : i32
    return %c0_i32, %arg0 : i32, i32
  }
  func.func @transform_2(%arg0: i32) -> (i32, i32) {
    %c0_i32 = arith.constant 0 : i32
    %c0_i32_0 = arith.constant 0 : i32
    %c0_i32_1 = arith.constant 0 : i32
    return %c0_i32, %c0_i32_0 : i32, i32
  }
  func.func @transform_3(%arg0: i32) -> (i32, i32) {
    %c0_i32 = arith.constant 0 : i32
    %c0_i32_0 = arith.constant 0 : i32
    %c0_i32_1 = arith.constant 0 : i32
    return %c0_i32, %c0_i32_0 : i32, i32
  }
  func.func @transform_4(%arg0: i32) -> (i32, i32) {
    %c0_i32 = arith.constant 0 : i32
    %c0_i32_0 = arith.constant 0 : i32
    %c0_i32_1 = arith.constant 0 : i32
    return %c0_i32, %c0_i32_0 : i32, i32
  }
  func.func @transform_5(%arg0: i32) -> (i32, i32) {
    %c0_i32 = arith.constant 0 : i32
    %c0_i32_0 = arith.constant 0 : i32
    %c0_i32_1 = arith.constant 0 : i32
    return %c0_i32, %c0_i32_0 : i32, i32
  }
  func.func @transform_6(%arg0: i32) -> (i32, i32) {
    %c0_i32 = arith.constant 0 : i32
    %c0_i32_0 = arith.constant 0 : i32
    %c0_i32_1 = arith.constant 0 : i32
    return %c0_i32, %c0_i32_0 : i32, i32
  }
  func.func @transform_7(%arg0: i32) -> (i32, i32) {
    %c0_i32 = arith.constant 0 : i32
    %c0_i32_0 = arith.constant 0 : i32
    %c0_i32_1 = arith.constant 0 : i32
    return %c0_i32, %c0_i32_0 : i32, i32
  }
  func.func @transform_8(%arg0: i32) -> (i32, i32) {
    %c0_i32 = arith.constant 0 : i32
    %c0_i32_0 = arith.constant 0 : i32
    %c0_i32_1 = arith.constant 0 : i32
    return %c0_i32, %c0_i32_0 : i32, i32
  }
  func.func @transform_9(%arg0: i32) -> (i32, i32) {
    %c0_i32 = arith.constant 0 : i32
    %c0_i32_0 = arith.constant 0 : i32
    %c0_i32_1 = arith.constant 0 : i32
    return %c0_i32, %c0_i32_0 : i32, i32
  }
  func.func @transform_10(%arg0: i32) -> (i32, i32) {
    %c0_i32 = arith.constant 0 : i32
    %c0_i32_0 = arith.constant 0 : i32
    %c0_i32_1 = arith.constant 0 : i32
    return %c0_i32, %c0_i32_0 : i32, i32
  }
  func.func @transform_11(%arg0: i32) -> (i32, i32) {
    %c0_i32 = arith.constant 0 : i32
    %c0_i32_0 = arith.constant 0 : i32
    return %c0_i32, %arg0 : i32, i32
  }
}

</mosaic_0001>

<sc_bundles>
// kernel: kernel.4.cloned.1.call-start
scs
__scs_entry_jumppad:
0x0: {  	(pc) =	sbr.rel $0x88, $3  }
0x1: {  	(tag) =	ssettag $0x0;
	lr =	simm.s32 $0x1  }
0x2: {  	[smem:$0x3F96] =	sst lr;
	_ =	strace $0xD0000000  }
0x3: {  	_ = 	snop  }
0x4: {  	_ = 	snop  }
0x5: {  	_ = 	snop  }
0x6: {  	_ = 	snop  }
0x7: {  	_ = 	snop  }
__scs_overlays_trampoline_lowered:
0x8: {  	[smem:$0x3FA5] =	sst s0  }
0x9: {  	[smem:$0x3FA6] =	sst s1  }
0xa: {  	[smem:$0x3FA7] =	sst s2  }
0xb: {  	[smem:$0x3FA8] =	sst s3  }
0xc: {  	[smem:$0x3FA9] =	sst s4  }
0xd: {  	[smem:$0x3FAA] =	sst s5  }
0xe: {  	[smem:$0x3FAB] =	sst s6  }
0xf: {  	[smem:$0x3FAC] =	sst s7  }
0x10: {  	[smem:$0x3FAD] =	sst s8  }
0x11: {  	[smem:$0x3FAE] =	sst s9;
	s0 =	simm.s32 @!p0 $0x0  }
0x12: {  	s1 =	sld [smem:$0x3F94];
	s0 =	simm.s32 @p0 $0x1  }
0x13: {  	[smem:$0x3FAF] =	sst s0;
	s0 =	simm.s32 @!p1 $0x0  }
0x14: {  	s2 =	sld [smem:$0x3F93];
	s0 =	simm.s32 @p1 $0x1  }
0x15: {  	[smem:$0x3FB0] =	sst s0;
	s0 =	simm.s32 @!p2 $0x0  }
0x16: {  	s3 =	sld [smem:$0x3FDB];
	s0 =	simm.s32 @p2 $0x1  }
0x17: {  	s4 =	simm.s32 $0x1BF5;
	[smem:$0x3FB2] =	sst s0  }
0x18: {  	s0 =	sld [smem:$0x3F95];
	_ =	swait.ge [sflag:s4], $0x0  }
0x19: {  	s7 =	sld [smem:$0x3F96]  }
0x1a: {  	s8 =	sadd.s32 $0xFFFFE003, lr  }
0x1b: {  	s9 =	sadd.s32 $0xFFFFFEF7, lr;
	s5 =	simm.s32 $0xFFFFFFFF;
	p2 =	slt.u32 s8, $0xFFFFF086  }
0x1c: {  	p1 =	slt.u32 s9, $0xF7A;
	s5 =	simm.s32 @!p2 $0x0  }
0x1d: {  	s5 =	simm.s32 @p1 $0x1;
	p0 =	seq.s32 s7, s2  }
0x1e: {  	s7 =	smul.u32 @!p0 $0xF7A, s2;
	p2 =	seq.s32 @!p0 s5, $0x0  }
0x1f: {  	s9 =	smul.u32 $0xF7A, s1;
	s8 =	simm.s32 @!p0 $0x1BF5;
	p2 =	por !p2, p0  }
0x20: {  	[sflag:s8] =	ssyncset.s32 @!p0 $0xFFFFF086;
	s6 =	sadd.s32 @!p0 s3, s7;
	s7 =	simm.s32 @!p0 $0x108  }
0x21: {  	s3 =	sadd.s32 s3, s9;
	s6 =	sadd.s32 @!p0 $0x88, s6;
	s7 =	simm.s32 @p2 $0x1082  }
0x22: {  	[simem:s7], [sflag:s8] =	dma.local @!p0 [hbm:s6], $0xF7A  }
0x23: {  	s9 =	sor.u32 $0xD0000000, s2;
	s6 =	simm.s32 $0x108;
	_ =	swait.ge @!p0 [sflag:s8], $0x0  }
0x24: {  	s3 =	sadd.s32 $0x88, s3;
	s6 =	simm.s32 @!p1 $0x1082;
	[sflag:s4] =	ssyncset.s32 $0xFFFFF086  }
0x25: {  	[simem:s6], [sflag:s4] =	dma.local [hbm:s3], $0xF7A  }
0x26: {  	[smem:$0x3F96] =	sst s1;
	(tag) =	ssettag s2;
	_ =	strace s9  }
0x27: {  	s1 =	sld [smem:$0x3FA6]  }
0x28: {  	s2 =	sld [smem:$0x3FA7]  }
0x29: {  	s4 =	sld [smem:$0x3FA9]  }
0x2a: {  	p0 =	seq.s32 s5, $0x0;
	s5 =	sld [smem:$0x3FAA]  }
0x2b: {  	s6 =	sld [smem:$0x3FAB]  }
0x2c: {  	s7 =	sld [smem:$0x3FAC]  }
0x2d: {  	s3 =	simm.s32 $0x108;
	s8 =	sld [smem:$0x3FAD]  }
0x2e: {  	s3 =	simm.s32 @!p0 $0x1082;
	s9 =	sld [smem:$0x3FAE]  }
0x2f: {  	lr =	sadd.s32 s0, s3;
	s0 =	sld [smem:$0x3FA5]  }
0x30: {  	s3 =	sld [smem:$0x3FA8]  }
0x31: {  	[smem:$0x3FB1] =	sst s10  }
0x32: {  	s10 =	sld [smem:$0x3FAF];
	_ =	sdelay $0x3  }
0x33: {  	p0 =	seq.s32 s10, $0x1;
	s10 =	sld [smem:$0x3FB1];
	_ =	sdelay $0x3  }
0x34: {  	[smem:$0x3FB1] =	sst s10  }
0x35: {  	s10 =	sld [smem:$0x3FB0];
	_ =	sdelay $0x3  }
0x36: {  	p1 =	seq.s32 s10, $0x1;
	s10 =	sld [smem:$0x3FB1];
	_ =	sdelay $0x3  }
0x37: {  	[smem:$0x3FB1] =	sst s10  }
0x38: {  	s10 =	sld [smem:$0x3FB2]  }
0x39: {  	_ = 	snop;
	(pc) =	sbr.ind lr, $3  }
0x3a: {  	_ = 	snop  }
0x3b: {  	_ = 	snop  }
0x3c: {  	p2 =	seq.s32 s10, $0x1;
	s10 =	sld [smem:$0x3FB1]  }
0x3d: {  	_ =	shalt  }
0x3e: {  	_ =	shalt  }
0x3f: {  	_ =	shalt  }
0x40: {  	_ =	shalt  }
0x41: {  	_ =	shalt  }
0x42: {  	_ =	shalt  }
0x43: {  	_ =	shalt  }
0x44: {  	_ =	shalt  }
0x45: {  	_ =	shalt  }
0x46: {  	_ =	shalt  }
0x47: {  	_ =	shalt  }
0x48: {  	_ =	shalt  }
0x49: {  	_ =	shalt  }
0x4a: {  	_ =	shalt  }
0x4b: {  	_ =	shalt  }
0x4c: {  	_ =	shalt  }
0x4d: {  	_ =	shalt  }
0x4e: {  	_ =	shalt  }
0x4f: {  	_ =	shalt  }
0x50: {  	_ =	shalt  }
0x51: {  	_ =	shalt  }
0x52: {  	_ =	shalt  }
0x53: {  	_ =	shalt  }
0x54: {  	_ =	shalt  }
0x55: {  	_ =	shalt  }
0x56: {  	_ =	shalt  }
0x57: {  	_ =	shalt  }
0x58: {  	_ =	shalt  }
0x59: {  	_ =	shalt  }
0x5a: {  	_ =	shalt  }
0x5b: {  	_ =	shalt  }
0x5c: {  	_ =	shalt  }
0x5d: {  	_ =	shalt  }
0x5e: {  	_ =	shalt  }
0x5f: {  	_ =	shalt  }
0x60: {  	_ =	shalt  }
0x61: {  	_ =	shalt  }
0x62: {  	_ =	shalt  }
0x63: {  	_ =	shalt  }
0x64: {  	_ =	shalt  }
0x65: {  	_ =	shalt  }
0x66: {  	_ =	shalt  }
0x67: {  	_ =	shalt  }
0x68: {  	_ =	shalt  }
0x69: {  	_ =	shalt  }
0x6a: {  	_ =	shalt  }
0x6b: {  	_ =	shalt  }
0x6c: {  	_ =	shalt  }
0x6d: {  	_ =	shalt  }
0x6e: {  	_ =	shalt  }
0x6f: {  	_ =	shalt  }
0x70: {  	_ =	shalt  }
0x71: {  	_ =	shalt  }
0x72: {  	_ =	shalt  }
0x73: {  	_ =	shalt  }
0x74: {  	_ =	shalt  }
0x75: {  	_ =	shalt  }
0x76: {  	_ =	shalt  }
0x77: {  	_ =	shalt  }
0x78: {  	_ =	shalt  }
0x79: {  	_ =	shalt  }
0x7a: {  	_ =	shalt  }
0x7b: {  	_ =	shalt  }
0x7c: {  	_ =	shalt  }
0x7d: {  	_ =	shalt  }
0x7e: {  	_ =	shalt  }
0x7f: {  	_ =	shalt  }
0x80: {  	_ =	shalt  }
0x81: {  	_ =	shalt  }
0x82: {  	_ =	shalt  }
0x83: {  	_ =	shalt  }
0x84: {  	_ =	shalt  }
0x85: {  	_ =	shalt  }
0x86: {  	_ =	shalt  }
0x87: {  	_ =	shalt  }
.Lfunc_end0:
.L_simem_size_0:
called_computation_lowered:
.L_overlay_start_0:
0x88: {  	s2 =	sld [smem:$0x3FD9]  }
0x89: {  	s3 =	sld [smem:$0x3FFE];
	_ =	sdelay $0x1  }
0x8a: {  	s1 =	srdreg.scid  }
0x8b: {  	s0 =	sand.u32 $0x1, s1  }
0x8c: {  	s17 =	sshll.u32 s0, $0xA;
	s2 =	sadd.s32 s3, s2  }
0x8d: {  	s2 =	sadd.s32 s2, s17  }
0x8e: {  	[smem:$0x3FBD] =	sst s2  }
0x8f: {  	_ = 	snop  }
0x90: {  	s2 =	sld [smem:$0x3FC8]  }
0x91: {  	s18 =	sld [smem:$0x3FC7]  }
0x92: {  	s4 =	sld [smem:$0x3FD0];
	(tm) =	ssettm $0x1  }
0x93: {  	s5 =	sld [smem:$0x3FFB];
	_ =	sdelay $0x3  }
0x94: {  	_ =	strace s5  }
0x95: {  	s5 =	sld [smem:$0x3FFC];
	_ =	sdelay $0x3  }
0x96: {  	_ =	strace s5  }
0x97: {  	s5 =	sld [smem:$0x3FFD];
	_ =	sdelay $0x3  }
0x98: {  	_ =	strace s5  }
0x99: {  	_ =	strace $0x8FFFFFFF  }
0x9a: {  	s19 =	sld [smem:$0x3FDB];
	_ =	sdelay $0x1  }
0x9b: {  	s6 =	simm.s32 $_scs_section_size  }
0x9c: {  	s7 =	simm.s32 $_size__tile_overlayer_lowered;
	s8 =	simm.s32 $_tile_overlayer_lowered  }
0x9d: {  	s22 =	simm.s32 $0x1BFF;
	s21 =	sshll.u32 s8, $0x1;
	s5 =	sadd.s32 s6, s19  }
0x9e: {  	s9 =	simm.s32 $0x0;
	s20 =	sshll.u32 s7, $0x1;
	s7 =	sadd.s32 s21, s5  }
0x9f: {  	[timem:s9], [sflag:s22] =	dma.local [hbm:s7], s20  }
0xa0: {  	_ =	swait.ge [sflag:s22], s20  }
0xa1: {  	s6 =	ssub.s32 $0x0, s20;
	[sflag:s22] =	ssyncset.done $0x0  }
0xa2: {  	[sflag:s22] =	ssyncadd.s32 s6;
	_ =	sdelay $0x1  }
0xa3: {  	s23 =	simm.s32 $0x1B8B  }
0xa4: {  	_ =	swait.ge [sflag:s23], $0x1  }
0xa5: {  	[sflag:s23] =	ssyncset.done $0x0  }
0xa6: {  	s25 =	simm.s32 $0x1B8E;
	s24 =	sld [smem:$0x3FFE];
	[sflag:s23] =	ssyncadd.s32 $0xFFFFFFFF  }
0xa7: {  	s26 =	simm.s32 $execute0_lowered;
	[smem:$0x3FD2] =	sst s25  }
0xa8: {  	s7 =	sshll.u32 s26, $0x1;
	_ =	strace $0x80000046;
	[dreg:$0x1] =	wrdreg $0xFFFFFFFF  }
0xa9: {  	s28 =	simm.s32 $_size_execute0_lowered;
	s5 =	sadd.s32 s5, s7;
	[dreg:$0x0] =	wrdreg $0x0  }
0xaa: {  	s7 =	sshll.u32 s28, $0x1;
	[dreg:$0x2] =	wrdreg s5  }
0xab: {  	[dreg:$0x3] =	wrdreg s7  }
0xac: {  	[dreg:$0x4] =	wrdreg $0xC0  }
0xad: {  	_ =	task [dreg:s9], $0x5FFFF  }
0xae: {  	[dreg:$0x1] =	wrdreg $0xFFFFFFFF  }
0xaf: {  	[dreg:$0x0] =	wrdreg $0x60  }
0xb0: {  	[dreg:$0x2] =	wrdreg s2  }
0xb1: {  	[dreg:$0x3] =	wrdreg s18  }
0xb2: {  	[dreg:$0x4] =	wrdreg s4  }
0xb3: {  	[dreg:$0x5] =	wrdreg s24  }
0xb4: {  	[dreg:$0x6] =	wrdreg $0x9  }
0xb5: {  	_ =	task.clear_ibuf [dreg:s9], $0x7FFFF;
	_ =	strace $0x90000046  }
0xb6: {  	s29 =	simm.s32 $0x9;
	_ =	strace $0x80000048  }
0xb7: {  	_ =	swait.ge [sflag:s29], $0x1  }
0xb8: {  	[sflag:s29] =	ssyncadd.s32 $0xFFFFFFFF  }
0xb9: {  	_ =	strace $0x90000048  }
0xba: {  	_ =	sfence  }
0xbb: {  	s30 =	sld [smem:$0x0];
	_ =	sdelay $0x2  }
0xbc: {  	s31 =	sshll.u32 s1, $0xD;
	s1 =	sshrl.u32 s1, $0x2  }
0xbd: {  	s3 =	sand.u32 $0x4000, s31;
	s1 =	sadd.s32 s1, s30  }
0xbe: {  	s0 =	sor.u32 s3, s0;
	s1 =	sshll.u32 s1, $0x11  }
0xbf: {  	s0 =	sor.u32 s1, s0  }
0xc0: {  	s0 =	sadd.s32 $0x8F2B, s0  }
0xc1: {  	[sflag:s0] =	ssyncadd.remote.s32 $0x1  }
0xc2: {  	_ =	sfence.sel $0xFFFF  }
0xc3: {  	[dreg:$0x0] =	wrdreg $0xFFFFFFFF;
	(pc) =	sbr.abs _section_cstart, $3  }
0xc4: {  	[dreg:$0x1] =	wrdreg $0xFFFFFFFF  }
0xc5: {  	_ =	task.clear_ibuf [dreg:s9], $0x2FFFF;
	_ =	strace $0x9FFFFFFF  }
0xc6: {  	(tm) =	ssettm $0x7FFFFFFF  }
0xc7: {  	_ =	shalt  }
tec
execute0_lowered:
.L_overlay_start_1:
0x0: {  	(tag) =	ssettag $0x1  }
0x1: {  	s11 =	rddreg [dreg:$0x0]  }
0x2: {  	s2 =	rddreg [dreg:$0x1]  }
0x3: {  	s0 =	srdreg.scid;
	s4 =	rddreg [dreg:$0x2]  }
0x4: {  	s1 =	stileid.u32;
	s3 =	rddreg [dreg:$0x3];
	s6 =	simm.s32 $0x0  }
0x5: {  	s12 =	simm.s32 $0x400;
	s14 =	simm.s32 $0x5;
	s15 =	simm.s32 $0x9680  }
0x6: {  	s16 =	simm.s32 $0x3;
	s0 =	sand.u32 $0x1, s0;
	s1 =	sshll.u32 s1, $0x1  }
0x7: {  	s17 =	simm.s32 $0x2;
	s19 =	simm.s32 $0x16D00;
	s1 =	sor.u32 s0, s1  }
0x8: {  	s20 =	simm.s32 $0x1;
	[smem:$0x7FF] =	sst s6;
	s5 =	smul.u32 $0x1A, s1  }
0x9: {  	s21 =	simm.s32 $0xF080;
	_ =	strace $0x80000047;
	s8 =	smul.u32 $0x3400, s1  }
0xa: {  	s0 =	ssub.s32 $0x2, s0;
	s9 =	smul.u32 $0x68, s1;
	s1 =	sshll.u32 s1, $0x8  }
0xb: {  	s31 =	sshrl.u32 s0, $0x1;
	s1 =	sand.u32 $0x300, s1;
	s7 =	sshrl.u32 s5, $0x3  }
0xc: {  	s0 =	ssub.s32 s0, s31;
	s30 =	sor.u32 s9, s8;
	s10 =	smul.u32 $0xC3800, s7  }
.Ltmp0:
0xd: {  	s7 =	sadd.s32 $0x1600, s3;
	s3 =	sand.u32 $0x60380, s30;
	(pc) =	sbr.rel .LBB2_1-.Ltmp0, $4  }
0xe: {  	v1 =	vimm.s32 $0x0;
	vm0 =	vcmask $0x300;
	v0 =	vlaneseq.u32;
	s0 =	smax.u32 s0, $0x1;
	s3 =	sshrl.u32 s3, $0x3;
	s1 =	sor.u32 s1, s10  }
0xf: {  	v1 =	vsel vm0, $0x7, v1;
	v2 =	vor.u32 $0x10, v0;
	[dreg:$0x7] =	wrdreg s0;
	s3 =	sadd.s32 s11, s3;
	s1 =	sshrl.u32 s1, $0x3  }
0x10: {  	s22 =	simm.s32 $0x1AD00;
	v3 =	vor.u32 $0x20, v0;
	v4 =	vor.u32 $0x30, v0;
	v5 =	vor.u32 $0x40, v0;
	[dreg:$0x5] =	wrdreg s3;
	s1 =	sadd.s32 s2, s1  }
0x11: {  	v6 =	vor.u32 $0x50, v0;
	v7 =	vor.u32 $0x60, v0;
	v8 =	vor.u32 $0x70, v0;
	s11 =	simm.s32 $0x80;
	s3 =	simm.s32 $0x0;
	[dreg:$0x6] =	wrdreg s1  }
.LBB2_20:
0x12: {  	_ =	swait.ge [sflag:s16], $0x4000  }
0x13: {  	[sflag:s16] =	ssyncset.done $0x0  }
0x14: {  	s1 =	simm.s32 $0x4;
	[sflag:s16] =	ssyncadd.s32 $0xFFFFC000  }
0x15: {  	_ =	swait.ge [sflag:s1], $0x4000  }
0x16: {  	s3 =	rddreg [dreg:$0x8]  }
0x17: {  	s0 =	rddreg [dreg:$0x7];
	s3 =	sadd.s32 $0x1, s3  }
0x18: {  	p0 =	sne.s32 s3, s0  }
.Ltmp1:
0x19: {  	_ = 	snop;
	(pc) =	sbr.rel @!p0 .LBB2_21-.Ltmp1, $3  }
0x1a: {  	_ =	sdelay $0x1  }
0x1b: {  	[sflag:s1] =	ssyncset.done $0x0  }
0x1c: {  	[sflag:s1] =	ssyncadd.s32 $0xFFFFC000  }
.LBB2_1:
0x1d: {  	[dreg:$0x8] =	wrdreg s3  }
0x1e: {  	s0 =	rddreg [dreg:$0x5];
	s1 =	simm.s32 $0x12D00  }
0x1f: {  	[tilespmem:s1], [sflag:$0x5] =	stream.strided.gather [hbm4b:s0+s11], $0x4000, s12, s11, $0x38;
	[tilespmem:$0x1ED00] =	vst v63  }
0x20: {  	_ =	swait.ge [sflag:s14], $0x4000  }
0x21: {  	[sflag:s14] =	ssyncset.done $0x0  }
0x22: {  	s31 =	rddreg [dreg:$0x6];
	[sflag:s14] =	ssyncadd.s32 $0xFFFFC000  }
0x23: {  	[tilespmem:s6], [sflag:$0x5] =	stream.strided.gather [hbm4b:s31+s11], $0x9580, s12, s11, $0x38;
	[tilespmem:$0x1ED00] =	vst v63  }
0x24: {  	_ =	swait.ge [sflag:s14], $0x9580  }
0x25: {  	[sflag:s14] =	ssyncset.done $0x0  }
0x26: {  	s25 =	simm.s32 $0x0;
	[sflag:s14] =	ssyncadd.s32 $0xFFFF6A80  }
.LBB2_2:
0x27: {  	s26 =	sshll.u32 s25, $0x1  }
0x28: {  	s0 =	sadd.s32 s5, s26  }
0x29: {  	s28 =	sshrl.u32 s0, $0x3  }
0x2a: {  	s1 =	sshll.u32 s0, $0x7;
	s30 =	smul.u32 $0xC3800, s28  }
0x2b: {  	s29 =	sand.u32 $0x300, s1  }
0x2c: {  	s1 =	sor.u32 s29, s30  }
0x2d: {  	s1 =	sadd.s32 $0x4AC00, s1  }
0x2e: {  	s1 =	sshrl.u32 s1, $0x3  }
0x2f: {  	s1 =	sadd.s32 s2, s1  }
0x30: {  	[tilespmem:s15], [sflag:$0x2] =	stream.strided.gather [hbm4b:s1+s11], $0x9680, s12, s11, $0x38;
	[tilespmem:$0x1ED00] =	vst v63  }
0x31: {  	p0 =	seq.s32 s25, $0x0;
	s1 =	sand.u32 $0x1E, s0  }
0x32: {  	p1 =	sne.s32 @!p0 s1, $0x0  }
0x33: {  	p1 =	por p0, p1  }
.Ltmp2:
0x34: {  	_ = 	snop;
	(pc) =	sbr.rel @p1 .LBB2_5-.Ltmp2, $1  }
0x35: {  	_ =	sdelay $0x3  }
0x36: {  	s1 =	sshll.u32 s0, $0x9;
	s23 =	sshll.u32 s0, $0x2  }
0x37: {  	s1 =	sand.u32 $0x7FFE0000, s1;
	s0 =	sand.u32 $0x380, s23  }
0x38: {  	s0 =	sor.u32 s0, s1  }
0x39: {  	s24 =	rddreg [dreg:$0x0];
	s0 =	sshrl.u32 s0, $0x3  }
.Ltmp3:
0x3a: {  	s31 =	simm.s32 $0x12D00;
	s0 =	sadd.s32 s24, s0;
	(pc) =	sbr.rel .LBB2_4-.Ltmp3, $4  }
0x3b: {  	[tilespmem:s31], [sflag:$0x5] =	stream.strided.gather [hbm4b:s0+s11], $0x4000, s12, s11, $0x38;
	[tilespmem:$0x1ED00] =	vst v63  }
0x3c: {  	_ =	swait.ge [sflag:s14], $0x4000  }
0x3d: {  	[sflag:s14] =	ssyncset.done $0x0  }
0x3e: {  	[sflag:s14] =	ssyncadd.s32 $0xFFFFC000  }
.LBB2_5:
.Ltmp4:
0x3f: {  	(pc) =	sbr.rel @p0 .LBB2_6-.Ltmp4, $1  }
0x40: {  	_ =	sdelay $0x3  }
.LBB2_4:
0x41: {  	_ =	swait.ge [sflag:s16], $0x4000  }
0x42: {  	[sflag:s16] =	ssyncset.done $0x0  }
0x43: {  	p0 =	por $0x0, $0x0;
	[sflag:s16] =	ssyncadd.s32 $0xFFFFC000  }
.LBB2_7:
0x44: {  	s0 =	simm.s32 $0x12D80  }
0x45: {  	v9 =	vld [tilespmem:s0+$0x70]  }
0x46: {  	v10 =	vld [tilespmem:s0+$0xFFFFFF90]  }
0x47: {  	v11 =	vld [tilespmem:s0+$0xFFFFFFA0]  }
0x48: {  	v12 =	vld [tilespmem:s0+$0xFFFFFFB0]  }
0x49: {  	v13 =	vld [tilespmem:s0+$0xFFFFFFC0]  }
0x4a: {  	v14 =	vld [tilespmem:s0+$0xFFFFFFD0]  }
0x4b: {  	v15 =	vld [tilespmem:s0+$0xFFFFFFE0]  }
0x4c: {  	v16 =	vld [tilespmem:s0+$0xFFFFFFF0]  }
0x4d: {  	v17 =	vld [tilespmem:s0+$0x0]  }
0x4e: {  	v18 =	vld [tilespmem:s0+$0x10]  }
0x4f: {  	v19 =	vld [tilespmem:s0+$0x20];
	vm0 =	vlt.s32 v9, $0x957F  }
0x50: {  	v20 =	vld [tilespmem:s0+$0x30];
	vm14 =	vlt.s32 v10, $0x957F;
	v9 =	vnsel vm0, $0x957F, v9  }
0x51: {  	v21 =	vld [tilespmem:s0+$0x40];
	vm15 =	vlt.s32 v11, $0x957F;
	v10 =	vnsel vm14, $0x957F, v10  }
0x52: {  	v22 =	vld [tilespmem:s0+$0x50];
	vm4 =	vlt.s32 v12, $0x957F;
	v11 =	vnsel vm15, $0x957F, v11  }
0x53: {  	v23 =	vld [tilespmem:s0+$0x60];
	vm5 =	vlt.s32 v13, $0x957F;
	v12 =	vnsel vm4, $0x957F, v12  }
0x54: {  	v24 =	vld [tilespmem:s0+$0xFFFFFF80];
	vm6 =	vlt.s32 v14, $0x957F;
	v13 =	vnsel vm5, $0x957F, v13  }
0x55: {  	vm7 =	vlt.s32 v15, $0x957F;
	v14 =	vnsel vm6, $0x957F, v14;
	v9 =	vld.idx.msk [tilespmem:v9+s6+$0x0], $0xffff  }
0x56: {  	vm8 =	vlt.s32 v16, $0x957F;
	v15 =	vnsel vm7, $0x957F, v15;
	v10 =	vld.idx.msk [tilespmem:v10+s6+$0x0], $0xffff  }
0x57: {  	vm9 =	vlt.s32 v17, $0x957F;
	v16 =	vnsel vm8, $0x957F, v16;
	v11 =	vld.idx.msk [tilespmem:v11+s6+$0x0], $0xffff  }
0x58: {  	vm10 =	vlt.s32 v18, $0x957F;
	v17 =	vnsel vm9, $0x957F, v17;
	v12 =	vld.idx.msk [tilespmem:v12+s6+$0x0], $0xffff  }
0x59: {  	vm11 =	vlt.s32 v19, $0x957F;
	v18 =	vnsel vm10, $0x957F, v18;
	v13 =	vld.idx.msk [tilespmem:v13+s6+$0x0], $0xffff  }
0x5a: {  	s0 =	simm.s32 $0x16D80;
	vm1 =	vlt.s32 v20, $0x957F;
	v19 =	vnsel vm11, $0x957F, v19;
	v14 =	vld.idx.msk [tilespmem:v14+s6+$0x0], $0xffff  }
0x5b: {  	vm12 =	vlt.s32 v24, $0x957F;
	v20 =	vnsel vm1, $0x957F, v20;
	v15 =	vld.idx.msk [tilespmem:v15+s6+$0x0], $0xffff;
	[tilespmem:s0+$0x70] =	vst v9  }
0x5c: {  	vm13 =	vlt.s32 v21, $0x957F;
	v16 =	vld.idx.msk [tilespmem:v16+s6+$0x0], $0xffff;
	v9 =	vnsel vm12, $0x957F, v24;
	[tilespmem:s0+$0xFFFFFF90] =	vst v10  }
0x5d: {  	v21 =	vnsel vm13, $0x957F, v21;
	vm14 =	vlt.s32 v22, $0x957F;
	v17 =	vld.idx.msk [tilespmem:v17+s6+$0x0], $0xffff;
	[tilespmem:s0+$0xFFFFFFA0] =	vst v11  }
0x5e: {  	vm15 =	vlt.s32 v23, $0x957F;
	v22 =	vnsel vm14, $0x957F, v22;
	v18 =	vld.idx.msk [tilespmem:v18+s6+$0x0], $0xffff;
	[tilespmem:s0+$0xFFFFFFB0] =	vst v12  }
0x5f: {  	v23 =	vnsel vm15, $0x957F, v23;
	[tilespmem:s0+$0xFFFFFFC0] =	vst v13;
	v10 =	vld.idx.msk [tilespmem:v19+s6+$0x0], $0xffff  }
0x60: {  	[tilespmem:s0+$0xFFFFFFD0] =	vst v14;
	v11 =	vld.idx.msk [tilespmem:v20+s6+$0x0], $0xffff  }
0x61: {  	[tilespmem:s0+$0xFFFFFFE0] =	vst v15;
	v9 =	vld.idx.msk [tilespmem:v9+s6+$0x0], $0xffff  }
0x62: {  	[tilespmem:s0+$0xFFFFFFF0] =	vst v16;
	v12 =	vld.idx.msk [tilespmem:v21+s6+$0x0], $0xffff  }
0x63: {  	[tilespmem:s0+$0x0] =	vst v17;
	v13 =	vld.idx.msk [tilespmem:v22+s6+$0x0], $0xffff  }
0x64: {  	s3 =	simm.s32 $0x0;
	s31 =	simm.s32 $0x12E80;
	[tilespmem:s0+$0x10] =	vst v18;
	v14 =	vld.idx.msk [tilespmem:v23+s6+$0x0], $0xffff  }
.LBB2_8:
0x65: {  	v15 =	vld [tilespmem:s31+$0x70];
	s3 =	sadd.s32 $0x10, s3;
	[tilespmem:s0+$0x20] =	vst v10  }
0x66: {  	v10 =	vld [tilespmem:s31+$0xFFFFFF90];
	p1 =	slt.u32 s3, $0x3F0;
	[tilespmem:s0+$0xFFFFFF80] =	vst v9  }
0x67: {  	v9 =	vld [tilespmem:s31+$0xFFFFFFA0];
	[tilespmem:s0+$0x30] =	vst v11  }
0x68: {  	v11 =	vld [tilespmem:s31+$0xFFFFFFB0];
	[tilespmem:s0+$0x40] =	vst v12  }
0x69: {  	v12 =	vld [tilespmem:s31+$0xFFFFFFC0];
	[tilespmem:s0+$0x50] =	vst v13  }
0x6a: {  	v13 =	vld [tilespmem:s31+$0xFFFFFFD0];
	vm0 =	vlt.s32 v15, $0x957F;
	[tilespmem:s0+$0x60] =	vst v14  }
0x6b: {  	vm1 =	vlt.s32 v10, $0x957F;
	v14 =	vld [tilespmem:s31+$0xFFFFFFE0];
	v15 =	vnsel vm0, $0x957F, v15  }
0x6c: {  	v10 =	vnsel vm1, $0x957F, v10;
	vm0 =	vlt.s32 v9, $0x957F;
	v16 =	vld [tilespmem:s31+$0xFFFFFFF0]  }
0x6d: {  	v9 =	vnsel vm0, $0x957F, v9;
	vm0 =	vlt.s32 v11, $0x957F;
	v17 =	vld [tilespmem:s31+$0x0]  }
0x6e: {  	v11 =	vnsel vm0, $0x957F, v11;
	vm0 =	vlt.s32 v12, $0x957F;
	v18 =	vld [tilespmem:s31+$0x10]  }
0x6f: {  	v12 =	vnsel vm0, $0x957F, v12;
	vm0 =	vlt.s32 v13, $0x957F;
	v19 =	vld [tilespmem:s31+$0x20]  }
0x70: {  	v13 =	vnsel vm0, $0x957F, v13;
	vm0 =	vlt.s32 v14, $0x957F;
	v15 =	vld.idx.msk [tilespmem:v15+s6+$0x0], $0xffff  }
0x71: {  	v14 =	vnsel vm0, $0x957F, v14;
	vm0 =	vlt.s32 v16, $0x957F;
	v20 =	vld [tilespmem:s31+$0x30]  }
0x72: {  	v16 =	vnsel vm0, $0x957F, v16;
	vm0 =	vlt.s32 v17, $0x957F;
	v21 =	vld [tilespmem:s31+$0x40]  }
0x73: {  	v17 =	vnsel vm0, $0x957F, v17;
	vm0 =	vlt.s32 v18, $0x957F;
	v22 =	vld [tilespmem:s31+$0x50]  }
0x74: {  	v18 =	vnsel vm0, $0x957F, v18;
	vm0 =	vlt.s32 v19, $0x957F;
	v23 =	vld [tilespmem:s31+$0x60]  }
0x75: {  	s0 =	sadd.s32 $0x100, s0;
	v24 =	vld [tilespmem:s31+$0xFFFFFF80];
	v19 =	vnsel vm0, $0x957F, v19  }
0x76: {  	v10 =	vld.idx.msk [tilespmem:v10+s6+$0x0], $0xffff;
	vm0 =	vlt.s32 v20, $0x957F;
	[tilespmem:s0+$0x70] =	vst v15  }
0x77: {  	v9 =	vld.idx.msk [tilespmem:v9+s6+$0x0], $0xffff;
	v15 =	vnsel vm0, $0x957F, v20;
	vm0 =	vlt.s32 v21, $0x957F  }
0x78: {  	v11 =	vld.idx.msk [tilespmem:v11+s6+$0x0], $0xffff;
	v20 =	vnsel vm0, $0x957F, v21;
	vm0 =	vlt.s32 v22, $0x957F  }
0x79: {  	v12 =	vld.idx.msk [tilespmem:v12+s6+$0x0], $0xffff;
	v21 =	vnsel vm0, $0x957F, v22;
	vm0 =	vlt.s32 v23, $0x957F  }
0x7a: {  	vm1 =	vlt.s32 v24, $0x957F;
	v13 =	vld.idx.msk [tilespmem:v13+s6+$0x0], $0xffff;
	v22 =	vnsel vm0, $0x957F, v23  }
0x7b: {  	v23 =	vnsel vm1, $0x957F, v24;
	v14 =	vld.idx.msk [tilespmem:v14+s6+$0x0], $0xffff  }
0x7c: {  	[tilespmem:s0+$0xFFFFFF90] =	vst v10;
	v16 =	vld.idx.msk [tilespmem:v16+s6+$0x0], $0xffff  }
0x7d: {  	[tilespmem:s0+$0xFFFFFFA0] =	vst v9;
	v17 =	vld.idx.msk [tilespmem:v17+s6+$0x0], $0xffff  }
0x7e: {  	[tilespmem:s0+$0xFFFFFFB0] =	vst v11;
	v18 =	vld.idx.msk [tilespmem:v18+s6+$0x0], $0xffff  }
0x7f: {  	[tilespmem:s0+$0xFFFFFFC0] =	vst v12;
	v10 =	vld.idx.msk [tilespmem:v19+s6+$0x0], $0xffff  }
.Ltmp5:
0x80: {  	v9 =	vld.idx.msk [tilespmem:v23+s6+$0x0], $0xffff;
	[tilespmem:s0+$0xFFFFFFD0] =	vst v13;
	(pc) =	sbr.rel @p1 .LBB2_8-.Ltmp5, $4  }
0x81: {  	[tilespmem:s0+$0xFFFFFFE0] =	vst v14;
	v11 =	vld.idx.msk [tilespmem:v15+s6+$0x0], $0xffff  }
0x82: {  	[tilespmem:s0+$0xFFFFFFF0] =	vst v16;
	v12 =	vld.idx.msk [tilespmem:v20+s6+$0x0], $0xffff  }
0x83: {  	[tilespmem:s0+$0x0] =	vst v17;
	v13 =	vld.idx.msk [tilespmem:v21+s6+$0x0], $0xffff  }
0x84: {  	s31 =	sadd.s32 $0x100, s31;
	[tilespmem:s0+$0x10] =	vst v18;
	v14 =	vld.idx.msk [tilespmem:v22+s6+$0x0], $0xffff  }
0x85: {  	[tilespmem:s0+$0x20] =	vst v10  }
0x86: {  	[tilespmem:s0+$0xFFFFFF80] =	vst v9  }
0x87: {  	[tilespmem:s0+$0x30] =	vst v11  }
0x88: {  	[tilespmem:s0+$0x40] =	vst v12  }
0x89: {  	[tilespmem:s0+$0x50] =	vst v13  }
0x8a: {  	s8 =	sadd.s32 s29, s30;
	[tilespmem:s0+$0x60] =	vst v14  }
0x8b: {  	s0 =	sadd.s32 $0x96000, s8;
	_ =	swait.ge [sflag:s17], $0x9680  }
0x8c: {  	s0 =	sshrl.u32 s0, $0x3;
	[sflag:s17] =	ssyncset.done $0x0  }
0x8d: {  	s9 =	sshll.u32 s28, $0xB;
	s0 =	sadd.s32 s2, s0;
	[sflag:s17] =	ssyncadd.s32 $0xFFFF6980  }
0x8e: {  	[tilespmem:s6], [sflag:$0x1] =	stream.strided.gather [hbm4b:s0+s11], $0x5A00, s12, s11, $0x38;
	[tilespmem:$0x1ED00] =	vst v63  }
0x8f: {  	s0 =	sor.u32 s29, s9  }
0x90: {  	s0 =	sshrl.u32 s0, $0x3  }
0x91: {  	s1 =	simm.s32 $0x5A00;
	s10 =	simm.s32 $0x12D80;
	s0 =	sadd.s32 s4, s0  }
0x92: {  	[tilespmem:s1], [sflag:$0x1] =	stream.strided.gather [hbm4b:s0+s11], $0x100, s12, s11, $0x38;
	[tilespmem:$0x1ED00] =	vst v63  }
0x93: {  	v14 =	vld [tilespmem:s10+$0x70]  }
0x94: {  	v9 =	vld [tilespmem:s10+$0xFFFFFF80]  }
0x95: {  	v22 =	vld [tilespmem:s10+$0xFFFFFF90]  }
0x96: {  	v21 =	vld [tilespmem:s10+$0xFFFFFFA0]  }
0x97: {  	v20 =	vld [tilespmem:s10+$0xFFFFFFB0]  }
0x98: {  	s31 =	simm.s32 $0xF0;
	v18 =	vld [tilespmem:s10+$0xFFFFFFC0]  }
0x99: {  	v12 =	vmov s31;
	v17 =	vld [tilespmem:s10+$0xFFFFFFD0]  }
0x9a: {  	v13 =	vshrl.u32 v12, $0x7;
	v19 =	vld [tilespmem:s10+$0xFFFFFFE0]  }
0x9b: {  	v28 =	vshll.u32 v13, v1;
	v11 =	vld [tilespmem:s10+$0x10]  }
0x9c: {  	s24 =	simm.s32 $0xD0;
	v28 =	vbroadcast v28, $0x0;
	v12 =	vld [tilespmem:s10+$0x20]  }
0x9d: {  	v62 =	vmov s24;
	s9 =	simm.s32 $0xB0;
	v13 =	vld [tilespmem:s10+$0x30]  }
0x9e: {  	v37 =	vor.u32 v8, v28;
	v61 =	vmov s9;
	v10 =	vadd.s32 $0xFFFF6A80, v14  }
0x9f: {  	v15 =	vadd.s32 $0xFFFF6A80, v9;
	vm0 =	vgt.s32 v9, $0x957F;
	v16 =	vadd.s32 $0xFFFF6A80, v22  }
0xa0: {  	v23 =	vadd.s32 $0xFFFF6A80, v21;
	v25 =	vadd.s32 $0xFFFF6A80, v20;
	v26 =	vadd.s32 $0xFFFF6A80, v18  }
0xa1: {  	v27 =	vadd.s32 $0xFFFF6A80, v17;
	v29 =	vadd.s32 $0xFFFF6A80, v19;
	v32 =	vadd.s32 $0xFFFF6A80, v11  }
0xa2: {  	v34 =	vadd.s32 $0xFFFF6A80, v12;
	v35 =	vadd.s32 $0xFFFF6A80, v13;
	vm1 =	vgt.s32 v10, $0x0  }
0xa3: {  	vm2 =	vgt.s32 v15, $0x0;
	vm3 =	vgt.s32 v16, $0x0;
	vm4 =	vgt.s32 v23, $0x0  }
0xa4: {  	vm5 =	vgt.s32 v25, $0x0;
	vm6 =	vgt.s32 v26, $0x0;
	vm7 =	vgt.s32 v27, $0x0  }
0xa5: {  	vm8 =	vgt.s32 v29, $0x0;
	v10 =	vnsel vm1, $0x0, v10;
	vm1 =	vgt.s32 v14, $0x957F  }
0xa6: {  	v28 =	vnsel vm2, $0x0, v15;
	v33 =	vnsel vm3, $0x0, v16;
	vm3 =	vgt.s32 v32, $0x0  }
0xa7: {  	v23 =	vnsel vm4, $0x0, v23;
	vm4 =	vgt.s32 v34, $0x0;
	v25 =	vnsel vm5, $0x0, v25  }
0xa8: {  	v26 =	vnsel vm6, $0x0, v26;
	vm5 =	vgt.s32 v35, $0x0;
	v27 =	vnsel vm7, $0x0, v27  }
0xa9: {  	v9 =	vld [tilespmem:s10+$0xFFFFFFF0];
	v29 =	vnsel vm8, $0x0, v29;
	v24 =	vmin.u32 v10, $0x967F;
	v32 =	vnsel vm3, $0x0, v32  }
0xaa: {  	v14 =	vld [tilespmem:s10+$0x40];
	v34 =	vnsel vm4, $0x0, v34;
	v35 =	vnsel vm5, $0x0, v35;
	v28 =	vmin.u32 v28, $0x967F  }
0xab: {  	v15 =	vld [tilespmem:s10+$0x50];
	v33 =	vmin.u32 v33, $0x967F;
	v23 =	vmin.u32 v23, $0x967F;
	v25 =	vmin.u32 v25, $0x967F  }
0xac: {  	s3 =	simm.s32 $0x90;
	v16 =	vld [tilespmem:s10+$0x60];
	v26 =	vmin.u32 v26, $0x967F;
	v27 =	vmin.u32 v27, $0x967F;
	v40 =	vmin.u32 v29, $0x967F  }
0xad: {  	v10 =	vld [tilespmem:s10+$0x0];
	s10 =	simm.s32 $0xE0;
	v29 =	vmov s3;
	vm5 =	vgt.s32 v21, $0x957F;
	vm4 =	vgt.s32 v18, $0x957F  }
0xae: {  	v32 =	vmin.u32 v32, $0x967F;
	v46 =	vmin.u32 v34, $0x967F;
	v43 =	vmov s10  }
0xaf: {  	v35 =	vmin.u32 v35, $0x967F;
	v30 =	vadd.s32 $0xFFFF6A80, v9;
	v44 =	vshrl.u32 v43, $0x7  }
0xb0: {  	vm9 =	vgt.s32 v30, $0x0;
	v56 =	vshll.u32 v44, v1;
	v36 =	vadd.s32 $0xFFFF6A80, v14  }
0xb1: {  	v30 =	vnsel vm9, $0x0, v30;
	v38 =	vadd.s32 $0xFFFF6A80, v15;
	v39 =	vadd.s32 $0xFFFF6A80, v16  }
0xb2: {  	s13 =	simm.s32 $0x80;
	s18 =	simm.s32 $0x0;
	v31 =	vadd.s32 $0xFFFF6A80, v10;
	vm6 =	vgt.s32 v36, $0x0;
	vm3 =	vgt.s32 v39, $0x0;
	v52 =	vld.idx.msk [tilespmem:v24+s15+$0x0], $0xffff  }
0xb3: {  	s8 =	simm.s32 $0xA0;
	v41 =	vmin.u32 v30, $0x967F;
	v34 =	vld.idx.msk [tilespmem:v28+s15+$0x0], $0xffff;
	v24 =	vmov s18;
	v28 =	vmov s13  }
0xb4: {  	v30 =	vmov s8;
	vm2 =	vgt.s32 v31, $0x0;
	v36 =	vnsel vm6, $0x0, v36  }
0xb5: {  	v39 =	vnsel vm3, $0x0, v39;
	v24 =	vshrl.u32 v24, $0x7;
	v47 =	vmin.u32 v36, $0x967F;
	v36 =	vld.idx.msk [tilespmem:v33+s15+$0x0], $0xffff  }
0xb6: {  	vm6 =	vgt.s32 v20, $0x957F;
	vm3 =	vgt.s32 v17, $0x957F;
	v31 =	vnsel vm2, $0x0, v31;
	v33 =	vld.idx.msk [tilespmem:v25+s15+$0x0], $0xffff  }
0xb7: {  	vm2 =	vgt.s32 v38, $0x0;
	v25 =	vshrl.u32 v28, $0x7;
	v28 =	vshrl.u32 v29, $0x7;
	v29 =	vld.idx.msk [tilespmem:v26+s15+$0x0], $0xffff  }
0xb8: {  	v54 =	vmin.u32 v39, $0x967F;
	v26 =	vshrl.u32 v30, $0x7;
	v24 =	vshll.u32 v24, v1;
	v30 =	vld.idx.msk [tilespmem:v27+s15+$0x0], $0xffff  }
0xb9: {  	s23 =	simm.s32 $0xC0;
	v39 =	vshrl.u32 v62, $0x7;
	v27 =	vld.idx.msk [tilespmem:v40+s15+$0x0], $0xffff;
	v38 =	vnsel vm2, $0x0, v38;
	v42 =	vmin.u32 v31, $0x967F  }
0xba: {  	v31 =	vld.idx.msk [tilespmem:v23+s15+$0x0], $0xffff;
	v23 =	vmov s23;
	v63 =	vshll.u32 v25, v1;
	v48 =	vshll.u32 v28, v1  }
0xbb: {  	v26 =	vshll.u32 v26, v1;
	v55 =	vshll.u32 v39, v1;
	v45 =	vbroadcast v24, $0x0;
	v24 =	vld.idx.msk [tilespmem:v46+s15+$0x0], $0xffff  }
0xbc: {  	vm2 =	vgt.s32 v22, $0x957F;
	v53 =	vmin.u32 v38, $0x967F;
	v23 =	vshrl.u32 v23, $0x7;
	v28 =	vld.idx.msk [tilespmem:v41+s15+$0x0], $0xffff  }
0xbd: {  	v38 =	vshrl.u32 v61, $0x7;
	v43 =	vbroadcast v63, $0x0;
	v49 =	vshll.u32 v23, v1;
	v23 =	vld.idx.msk [tilespmem:v32+s15+$0x0], $0xffff  }
0xbe: {  	v44 =	vbroadcast v48, $0x0;
	v40 =	vbroadcast v55, $0x0;
	v51 =	vor.u32 v0, v45;
	v32 =	vld.idx.msk [tilespmem:v47+s15+$0x0], $0xffff  }
0xbf: {  	v38 =	vshll.u32 v38, v1;
	v50 =	vor.u32 v2, v45;
	[tilespmem:v37+s19+$0x0] =	vst.idx.msk vm1, v52;
	v37 =	vld.idx.msk [tilespmem:v54+s15+$0x0], $0xffff  }
0xc0: {  	v48 =	vor.u32 v4, v45;
	v46 =	vor.u32 v6, v45;
	vm1 =	vgt.s32 v19, $0x957F;
	v25 =	vld.idx.msk [tilespmem:v42+s15+$0x0], $0xffff  }
0xc1: {  	v39 =	vbroadcast v49, $0x0;
	v49 =	vor.u32 v3, v45;
	v42 =	vbroadcast v26, $0x0;
	v26 =	vld.idx.msk [tilespmem:v35+s15+$0x0], $0xffff  }
0xc2: {  	s0 =	simm.s32 $0x12E80;
	s3 =	simm.s32 $0x0;
	v41 =	vbroadcast v38, $0x0;
	v38 =	vbroadcast v56, $0x0;
	v47 =	vor.u32 v5, v45;
	v35 =	vld.idx.msk [tilespmem:v53+s15+$0x0], $0xffff  }
.LBB2_10:
0xc3: {  	v52 =	vld [tilespmem:s0+$0x70];
	s3 =	sadd.s32 $0x10, s3;
	[tilespmem:v51+s19+$0x0] =	vst.idx.msk vm0, v34;
	v34 =	vor.u32 v7, v45;
	vm11 =	vgt.s32 v9, $0x957F;
	v45 =	vor.u32 v8, v45  }
0xc4: {  	vm10 =	vgt.s32 v10, $0x957F;
	vm9 =	vgt.s32 v11, $0x957F;
	v9 =	vld [tilespmem:s0+$0xFFFFFF80];
	p1 =	slt.u32 s3, $0x3F0;
	[tilespmem:v50+s19+$0x0] =	vst.idx.msk vm2, v36;
	v36 =	vor.u32 v0, v43  }
0xc5: {  	vm8 =	vgt.s32 v12, $0x957F;
	v42 =	vor.u32 v3, v42;
	v43 =	vor.u32 v2, v44;
	v20 =	vld [tilespmem:s0+$0xFFFFFF90]  }
0xc6: {  	vm7 =	vgt.s32 v13, $0x957F;
	v17 =	vld [tilespmem:s0+$0xFFFFFFA0];
	[tilespmem:v49+s19+$0x0] =	vst.idx.msk vm5, v31;
	v31 =	vor.u32 v4, v41;
	vm5 =	vgt.s32 v14, $0x957F  }
0xc7: {  	vm2 =	vgt.s32 v15, $0x957F;
	v15 =	vor.u32 v6, v40;
	v14 =	vor.u32 v5, v39;
	v18 =	vld [tilespmem:s0+$0xFFFFFFB0];
	[tilespmem:v48+s19+$0x0] =	vst.idx.msk vm6, v33  }
0xc8: {  	v19 =	vld [tilespmem:s0+$0xFFFFFFC0];
	v10 =	vadd.s32 $0xFFFF6A80, v52;
	[tilespmem:v47+s19+$0x0] =	vst.idx.msk vm4, v29;
	vm4 =	vgt.s32 v16, $0x957F;
	v16 =	vor.u32 v7, v38  }
0xc9: {  	v29 =	vadd.s32 $0xFFFF6A80, v9;
	vm0 =	vgt.s32 v9, $0x957F;
	v21 =	vld [tilespmem:s0+$0xFFFFFFD0];
	vm6 =	vgt.s32 v10, $0x0;
	[tilespmem:v46+s19+$0x0] =	vst.idx.msk vm3, v30  }
0xca: {  	vm3 =	vgt.s32 v29, $0x0;
	v30 =	vadd.s32 $0xFFFF6A80, v20;
	v22 =	vld [tilespmem:s0+$0xFFFFFFE0];
	v10 =	vnsel vm6, $0x0, v10;
	[tilespmem:v34+s19+$0x0] =	vst.idx.msk vm1, v27  }
0xcb: {  	s31 =	sadd.s32 $0x100, s31;
	vm1 =	vgt.s32 v30, $0x0;
	v27 =	vadd.s32 $0xFFFF6A80, v17;
	v9 =	vld [tilespmem:s0+$0xFFFFFFF0];
	v33 =	vmin.u32 v10, $0x967F;
	[tilespmem:v45+s19+$0x0] =	vst.idx.msk vm11, v28  }
0xcc: {  	s10 =	sadd.s32 $0xFFFFFF90, s31;
	s8 =	sadd.s32 $0xFFFFFFA0, s31;
	s9 =	sadd.s32 $0xFFFFFFB0, s31;
	v12 =	vmov s31;
	vm6 =	vgt.s32 v27, $0x0;
	v28 =	vadd.s32 $0xFFFF6A80, v18;
	v10 =	vld [tilespmem:s0+$0x0];
	[tilespmem:v36+s19+$0x0] =	vst.idx.msk vm10, v25  }
0xcd: {  	s1 =	sadd.s32 $0xFFFFFFC0, s31;
	s23 =	sadd.s32 $0xFFFFFFD0, s31;
	s24 =	sadd.s32 $0xFFFFFFE0, s31;
	v13 =	vshrl.u32 v12, $0x7;
	vm10 =	vgt.s32 v28, $0x0;
	v25 =	vadd.s32 $0xFFFF6A80, v19;
	v11 =	vld [tilespmem:s0+$0x10];
	[tilespmem:v43+s19+$0x0] =	vst.idx.msk vm9, v23  }
0xce: {  	s18 =	sadd.s32 $0xFFFFFF10, s31;
	s13 =	sadd.s32 $0xFFFFFFF0, s31;
	v34 =	vshll.u32 v13, v1;
	vm9 =	vgt.s32 v25, $0x0;
	v23 =	vadd.s32 $0xFFFF6A80, v21;
	v12 =	vld [tilespmem:s0+$0x20];
	[tilespmem:v42+s19+$0x0] =	vst.idx.msk vm8, v24  }
0xcf: {  	v34 =	vbroadcast v34, $0x0;
	vm8 =	vgt.s32 v23, $0x0;
	v24 =	vadd.s32 $0xFFFF6A80, v22;
	v13 =	vld [tilespmem:s0+$0x30];
	[tilespmem:v31+s19+$0x0] =	vst.idx.msk vm7, v26  }
0xd0: {  	vm11 =	vgt.s32 v52, $0x957F;
	vm7 =	vgt.s32 v24, $0x0;
	v26 =	vadd.s32 $0xFFFF6A80, v9;
	v31 =	vld.idx.msk [tilespmem:v33+s15+$0x0], $0xffff;
	[tilespmem:v14+s19+$0x0] =	vst.idx.msk vm5, v32  }
0xd1: {  	v33 =	vor.u32 v8, v34;
	vm5 =	vgt.s32 v26, $0x0;
	v32 =	vadd.s32 $0xFFFF6A80, v10;
	v14 =	vld [tilespmem:s0+$0x40];
	[tilespmem:v15+s19+$0x0] =	vst.idx.msk vm2, v35  }
0xd2: {  	v29 =	vnsel vm3, $0x0, v29;
	vm2 =	vgt.s32 v32, $0x0;
	v34 =	vadd.s32 $0xFFFF6A80, v11;
	v15 =	vld [tilespmem:s0+$0x50];
	[tilespmem:v16+s19+$0x0] =	vst.idx.msk vm4, v37  }
0xd3: {  	v30 =	vnsel vm1, $0x0, v30;
	vm1 =	vgt.s32 v34, $0x0;
	v35 =	vadd.s32 $0xFFFF6A80, v12;
	v16 =	vld [tilespmem:s0+$0x60]  }
0xd4: {  	v27 =	vnsel vm6, $0x0, v27;
	vm3 =	vgt.s32 v35, $0x0;
	v36 =	vadd.s32 $0xFFFF6A80, v13  }
0xd5: {  	v28 =	vnsel vm10, $0x0, v28;
	v25 =	vnsel vm9, $0x0, v25;
	vm4 =	vgt.s32 v36, $0x0  }
0xd6: {  	v23 =	vnsel vm8, $0x0, v23;
	v24 =	vnsel vm7, $0x0, v24;
	v37 =	vadd.s32 $0xFFFF6A80, v14;
	[tilespmem:v33+s19+$0x0] =	vst.idx.msk vm11, v31  }
0xd7: {  	v26 =	vnsel vm5, $0x0, v26;
	vm5 =	vgt.s32 v37, $0x0;
	v31 =	vadd.s32 $0xFFFF6A80, v15  }
0xd8: {  	v32 =	vnsel vm2, $0x0, v32;
	vm2 =	vgt.s32 v31, $0x0;
	v33 =	vadd.s32 $0xFFFF6A80, v16  }
0xd9: {  	v34 =	vnsel vm1, $0x0, v34;
	v35 =	vnsel vm3, $0x0, v35;
	vm1 =	vgt.s32 v33, $0x0  }
0xda: {  	v36 =	vnsel vm4, $0x0, v36;
	v37 =	vnsel vm5, $0x0, v37;
	v31 =	vnsel vm2, $0x0, v31  }
0xdb: {  	v29 =	vmin.u32 v29, $0x967F;
	v30 =	vmin.u32 v30, $0x967F;
	v33 =	vnsel vm1, $0x0, v33  }
0xdc: {  	v27 =	vmin.u32 v27, $0x967F;
	v28 =	vmin.u32 v28, $0x967F;
	v25 =	vmin.u32 v25, $0x967F  }
0xdd: {  	v23 =	vmin.u32 v23, $0x967F;
	v24 =	vmin.u32 v24, $0x967F;
	v26 =	vmin.u32 v26, $0x967F  }
0xde: {  	v32 =	vmin.u32 v32, $0x967F;
	v38 =	vmin.u32 v34, $0x967F;
	v35 =	vmin.u32 v35, $0x967F  }
0xdf: {  	v40 =	vmin.u32 v36, $0x967F;
	v37 =	vmin.u32 v37, $0x967F;
	v46 =	vmin.u32 v31, $0x967F  }
0xe0: {  	v39 =	vmov s10;
	v52 =	vmin.u32 v33, $0x967F;
	v34 =	vld.idx.msk [tilespmem:v29+s15+$0x0], $0xffff;
	v29 =	vmov s18  }
0xe1: {  	v41 =	vmov s9;
	v42 =	vmov s1;
	v36 =	vld.idx.msk [tilespmem:v30+s15+$0x0], $0xffff;
	v30 =	vmov s8  }
0xe2: {  	v44 =	vmov s13;
	v43 =	vmov s24;
	v31 =	vld.idx.msk [tilespmem:v27+s15+$0x0], $0xffff;
	v27 =	vmov s23  }
0xe3: {  	v45 =	vshrl.u32 v29, $0x7;
	v33 =	vld.idx.msk [tilespmem:v28+s15+$0x0], $0xffff;
	v28 =	vshrl.u32 v39, $0x7;
	v39 =	vshrl.u32 v30, $0x7  }
0xe4: {  	v29 =	vld.idx.msk [tilespmem:v25+s15+$0x0], $0xffff;
	v25 =	vshrl.u32 v41, $0x7;
	v41 =	vshrl.u32 v42, $0x7;
	v42 =	vshrl.u32 v27, $0x7  }
0xe5: {  	v44 =	vshrl.u32 v44, $0x7;
	v45 =	vshll.u32 v45, v1;
	v30 =	vld.idx.msk [tilespmem:v23+s15+$0x0], $0xffff;
	v23 =	vshrl.u32 v43, $0x7  }
0xe6: {  	v39 =	vshll.u32 v39, v1;
	v47 =	vshll.u32 v25, v1;
	v27 =	vld.idx.msk [tilespmem:v24+s15+$0x0], $0xffff;
	v24 =	vshll.u32 v28, v1  }
0xe7: {  	v48 =	vshll.u32 v42, v1;
	v49 =	vshll.u32 v23, v1;
	v28 =	vld.idx.msk [tilespmem:v26+s15+$0x0], $0xffff;
	v26 =	vshll.u32 v41, v1  }
0xe8: {  	v45 =	vbroadcast v45, $0x0;
	v43 =	vbroadcast v24, $0x0;
	v25 =	vld.idx.msk [tilespmem:v32+s15+$0x0], $0xffff;
	v32 =	vshll.u32 v44, v1  }
0xe9: {  	vm2 =	vgt.s32 v20, $0x957F;
	v42 =	vbroadcast v47, $0x0;
	v44 =	vbroadcast v39, $0x0;
	v23 =	vld.idx.msk [tilespmem:v38+s15+$0x0], $0xffff  }
.Ltmp6:
0xea: {  	v51 =	vor.u32 v0, v45;
	v41 =	vbroadcast v26, $0x0;
	v39 =	vbroadcast v48, $0x0;
	v24 =	vld.idx.msk [tilespmem:v35+s15+$0x0], $0xffff;
	(pc) =	sbr.rel @p1 .LBB2_10-.Ltmp6, $4  }
0xeb: {  	v50 =	vor.u32 v2, v45;
	v38 =	vbroadcast v32, $0x0;
	v26 =	vld.idx.msk [tilespmem:v40+s15+$0x0], $0xffff;
	v40 =	vbroadcast v49, $0x0  }
0xec: {  	vm6 =	vgt.s32 v18, $0x957F;
	vm5 =	vgt.s32 v17, $0x957F;
	v49 =	vor.u32 v3, v45;
	v32 =	vld.idx.msk [tilespmem:v37+s15+$0x0], $0xffff  }
0xed: {  	vm4 =	vgt.s32 v19, $0x957F;
	v47 =	vor.u32 v5, v45;
	v48 =	vor.u32 v4, v45;
	v35 =	vld.idx.msk [tilespmem:v46+s15+$0x0], $0xffff  }
0xee: {  	s0 =	sadd.s32 $0x100, s0;
	vm3 =	vgt.s32 v21, $0x957F;
	vm1 =	vgt.s32 v22, $0x957F;
	v46 =	vor.u32 v6, v45;
	v37 =	vld.idx.msk [tilespmem:v52+s15+$0x0], $0xffff  }
0xef: {  	_ =	sdelay $0x4  }
0xf0: {  	[tilespmem:v51+s19+$0x0] =	vst.idx.msk vm0, v34  }
0xf1: {  	v17 =	vor.u32 v7, v45;
	vm0 =	vgt.s32 v9, $0x957F;
	[tilespmem:v50+s19+$0x0] =	vst.idx.msk vm2, v36  }
0xf2: {  	v9 =	vor.u32 v8, v45;
	vm2 =	vgt.s32 v10, $0x957F;
	[tilespmem:v49+s19+$0x0] =	vst.idx.msk vm5, v31  }
0xf3: {  	v10 =	vor.u32 v0, v43;
	vm5 =	vgt.s32 v11, $0x957F;
	[tilespmem:v48+s19+$0x0] =	vst.idx.msk vm6, v33  }
0xf4: {  	v11 =	vor.u32 v2, v44;
	vm6 =	vgt.s32 v12, $0x957F;
	[tilespmem:v47+s19+$0x0] =	vst.idx.msk vm4, v29  }
0xf5: {  	v12 =	vor.u32 v3, v42;
	vm4 =	vgt.s32 v13, $0x957F;
	[tilespmem:v46+s19+$0x0] =	vst.idx.msk vm3, v30  }
0xf6: {  	v13 =	vor.u32 v4, v41;
	vm3 =	vgt.s32 v14, $0x957F;
	[tilespmem:v17+s19+$0x0] =	vst.idx.msk vm1, v27  }
0xf7: {  	v14 =	vor.u32 v5, v39;
	vm1 =	vgt.s32 v15, $0x957F;
	[tilespmem:v9+s19+$0x0] =	vst.idx.msk vm0, v28  }
0xf8: {  	v9 =	vor.u32 v6, v40;
	vm0 =	vgt.s32 v16, $0x957F;
	[tilespmem:v10+s19+$0x0] =	vst.idx.msk vm2, v25  }
0xf9: {  	v10 =	vor.u32 v7, v38;
	[tilespmem:v11+s19+$0x0] =	vst.idx.msk vm5, v23  }
0xfa: {  	[tilespmem:v12+s19+$0x0] =	vst.idx.msk vm6, v24  }
0xfb: {  	[tilespmem:v13+s19+$0x0] =	vst.idx.msk vm4, v26  }
0xfc: {  	[tilespmem:v14+s19+$0x0] =	vst.idx.msk vm3, v32  }
0xfd: {  	[tilespmem:v9+s19+$0x0] =	vst.idx.msk vm1, v35  }
0xfe: {  	[tilespmem:v10+s19+$0x0] =	vst.idx.msk vm0, v37  }
0xff: {  	_ =	swait.ge [sflag:s20], $0x5A00  }
0x100: {  	[sflag:s20] =	ssyncset.done $0x0  }
0x101: {  	s0 =	sor.u32 s30, s29;
	[sflag:s20] =	ssyncadd.s32 $0xFFFFA600  }
0x102: {  	s0 =	sor.u32 $0x80, s0;
	_ =	swait.ge [sflag:s20], $0x100  }
0x103: {  	s0 =	sshrl.u32 s0, $0x3;
	[sflag:s20] =	ssyncset.done $0x0  }
0x104: {  	s18 =	simm.s32 $0x12D80;
	s0 =	sadd.s32 s2, s0;
	[sflag:s20] =	ssyncadd.s32 $0xFFFFFF00  }
0x105: {  	[tilespmem:s15], [sflag:$0x2] =	stream.strided.gather [hbm4b:s0+s11], $0x9580, s12, s11, $0x38;
	[tilespmem:$0x1ED00] =	vst v63  }
0x106: {  	v14 =	vld [tilespmem:s18+$0x70]  }
0x107: {  	v9 =	vld [tilespmem:s18+$0xFFFFFF80]  }
0x108: {  	v22 =	vld [tilespmem:s18+$0xFFFFFF90]  }
0x109: {  	v21 =	vld [tilespmem:s18+$0xFFFFFFA0]  }
0x10a: {  	v20 =	vld [tilespmem:s18+$0xFFFFFFB0]  }
0x10b: {  	s30 =	simm.s32 $0xF0;
	v18 =	vld [tilespmem:s18+$0xFFFFFFC0]  }
0x10c: {  	v12 =	vmov s30;
	v17 =	vld [tilespmem:s18+$0xFFFFFFD0]  }
0x10d: {  	v13 =	vshrl.u32 v12, $0x7;
	v19 =	vld [tilespmem:s18+$0xFFFFFFE0]  }
0x10e: {  	v28 =	vshll.u32 v13, v1;
	v11 =	vld [tilespmem:s18+$0x10]  }
0x10f: {  	v28 =	vbroadcast v28, $0x0;
	v12 =	vld [tilespmem:s18+$0x20]  }
0x110: {  	v13 =	vld [tilespmem:s18+$0x30]  }
0x111: {  	v36 =	vor.u32 v8, v28  }
0x112: {  	v10 =	vadd.s32 $0xFFFED400, v14;
	v15 =	vadd.s32 $0xFFFED400, v9;
	vm0 =	vgt.s32 v9, $0x12BFF  }
0x113: {  	v16 =	vadd.s32 $0xFFFED400, v22;
	v23 =	vadd.s32 $0xFFFED400, v21;
	v25 =	vadd.s32 $0xFFFED400, v20  }
0x114: {  	v26 =	vadd.s32 $0xFFFED400, v18;
	v27 =	vadd.s32 $0xFFFED400, v17;
	v29 =	vadd.s32 $0xFFFED400, v19  }
0x115: {  	v55 =	vadd.s32 $0xFFFED400, v11;
	v57 =	vadd.s32 $0xFFFED400, v12;
	v58 =	vadd.s32 $0xFFFED400, v13  }
0x116: {  	vm1 =	vgt.s32 v10, $0x0;
	vm2 =	vgt.s32 v15, $0x0;
	vm3 =	vgt.s32 v16, $0x0  }
0x117: {  	vm4 =	vgt.s32 v23, $0x0;
	vm5 =	vgt.s32 v25, $0x0;
	vm6 =	vgt.s32 v26, $0x0  }
0x118: {  	vm7 =	vgt.s32 v27, $0x0;
	vm8 =	vgt.s32 v29, $0x0;
	v10 =	vnsel vm1, $0x0, v10  }
0x119: {  	vm1 =	vgt.s32 v14, $0x12BFF;
	v28 =	vnsel vm2, $0x0, v15;
	v56 =	vnsel vm3, $0x0, v16  }
0x11a: {  	vm3 =	vgt.s32 v55, $0x0;
	v23 =	vnsel vm4, $0x0, v23;
	vm4 =	vgt.s32 v57, $0x0  }
0x11b: {  	v9 =	vld [tilespmem:s18+$0xFFFFFFF0];
	v25 =	vnsel vm5, $0x0, v25;
	v26 =	vnsel vm6, $0x0, v26;
	vm5 =	vgt.s32 v58, $0x0  }
0x11c: {  	v14 =	vld [tilespmem:s18+$0x40];
	v27 =	vnsel vm7, $0x0, v27;
	v29 =	vnsel vm8, $0x0, v29;
	v24 =	vmin.u32 v10, $0x5AA0  }
0x11d: {  	v15 =	vld [tilespmem:s18+$0x50];
	v32 =	vnsel vm3, $0x0, v55;
	v34 =	vnsel vm4, $0x0, v57;
	v35 =	vnsel vm5, $0x0, v58  }
0x11e: {  	v16 =	vld [tilespmem:s18+$0x60];
	v28 =	vmin.u32 v28, $0x5AA0;
	v33 =	vmin.u32 v56, $0x5AA0;
	v23 =	vmin.u32 v23, $0x5AA0  }
0x11f: {  	s3 =	simm.s32 $0x90;
	s9 =	simm.s32 $0xB0;
	v10 =	vld [tilespmem:s18+$0x0];
	v25 =	vmin.u32 v25, $0x5AA0;
	v26 =	vmin.u32 v26, $0x5AA0;
	v27 =	vmin.u32 v27, $0x5AA0  }
0x120: {  	v62 =	vmin.u32 v29, $0x5AA0;
	v29 =	vmov s3;
	v58 =	vmov s9  }
0x121: {  	vm5 =	vgt.s32 v21, $0x12BFF;
	vm4 =	vgt.s32 v18, $0x12BFF;
	v30 =	vadd.s32 $0xFFFED400, v9  }
0x122: {  	v32 =	vmin.u32 v32, $0x5AA0;
	v46 =	vmin.u32 v34, $0x5AA0;
	vm9 =	vgt.s32 v30, $0x0  }
0x123: {  	v47 =	vmin.u32 v35, $0x5AA0;
	v59 =	vadd.s32 $0xFFFED400, v14;
	v30 =	vnsel vm9, $0x0, v30  }
0x124: {  	v60 =	vadd.s32 $0xFFFED400, v15;
	v61 =	vadd.s32 $0xFFFED400, v16;
	v31 =	vadd.s32 $0xFFFED400, v10  }
0x125: {  	s23 =	simm.s32 $0x80;
	s1 =	simm.s32 $0x0;
	s8 =	simm.s32 $0xA0;
	vm6 =	vgt.s32 v59, $0x0;
	vm3 =	vgt.s32 v61, $0x0;
	v63 =	vmin.u32 v30, $0x5AA0;
	v52 =	vld.idx.msk [tilespmem:v24+s6+$0x0], $0xffff  }
0x126: {  	v35 =	vld.idx.msk [tilespmem:v28+s6+$0x0], $0xffff;
	v24 =	vmov s1;
	v28 =	vmov s23;
	v30 =	vmov s8  }
0x127: {  	s31 =	simm.s32 $0xD0;
	vm2 =	vgt.s32 v31, $0x0;
	v37 =	vnsel vm6, $0x0, v59;
	v39 =	vnsel vm3, $0x0, v61  }
0x128: {  	v34 =	vld.idx.msk [tilespmem:v25+s6+$0x0], $0xffff;
	v59 =	vmov s31;
	v24 =	vshrl.u32 v24, $0x7;
	v25 =	vshrl.u32 v28, $0x7  }
0x129: {  	v28 =	vshrl.u32 v29, $0x7;
	v29 =	vld.idx.msk [tilespmem:v26+s6+$0x0], $0xffff;
	v26 =	vshrl.u32 v30, $0x7;
	vm6 =	vgt.s32 v20, $0x12BFF  }
0x12a: {  	v30 =	vld.idx.msk [tilespmem:v27+s6+$0x0], $0xffff;
	vm3 =	vgt.s32 v17, $0x12BFF;
	v31 =	vnsel vm2, $0x0, v31;
	vm2 =	vgt.s32 v60, $0x0  }
0x12b: {  	v57 =	vmin.u32 v37, $0x5AA0;
	v54 =	vmin.u32 v39, $0x5AA0;
	v37 =	vld.idx.msk [tilespmem:v33+s6+$0x0], $0xffff;
	v33 =	vshrl.u32 v58, $0x7  }
0x12c: {  	v27 =	vld.idx.msk [tilespmem:v62+s6+$0x0], $0xffff;
	v24 =	vshll.u32 v24, v1;
	v61 =	vshll.u32 v25, v1;
	v62 =	vshll.u32 v28, v1  }
0x12d: {  	s24 =	simm.s32 $0xC0;
	s10 =	simm.s32 $0xE0;
	v26 =	vshll.u32 v26, v1;
	v38 =	vnsel vm2, $0x0, v60;
	v42 =	vmin.u32 v31, $0x5AA0  }
0x12e: {  	v31 =	vld.idx.msk [tilespmem:v23+s6+$0x0], $0xffff;
	v23 =	vmov s24;
	v60 =	vmov s10;
	v33 =	vshll.u32 v33, v1  }
0x12f: {  	v45 =	vbroadcast v24, $0x0;
	v43 =	vbroadcast v61, $0x0;
	vm2 =	vgt.s32 v22, $0x12BFF;
	v24 =	vld.idx.msk [tilespmem:v46+s6+$0x0], $0xffff  }
0x130: {  	v44 =	vbroadcast v62, $0x0;
	v53 =	vmin.u32 v38, $0x5AA0;
	v23 =	vshrl.u32 v23, $0x7;
	v28 =	vld.idx.msk [tilespmem:v63+s6+$0x0], $0xffff  }
0x131: {  	v38 =	vshrl.u32 v59, $0x7;
	v39 =	vshrl.u32 v60, $0x7;
	v63 =	vshll.u32 v23, v1;
	v23 =	vld.idx.msk [tilespmem:v32+s6+$0x0], $0xffff  }
0x132: {  	v41 =	vbroadcast v33, $0x0;
	v38 =	vshll.u32 v38, v1;
	v51 =	vor.u32 v0, v45;
	v32 =	vld.idx.msk [tilespmem:v57+s6+$0x0], $0xffff  }
0x133: {  	v55 =	vshll.u32 v39, v1;
	v50 =	vor.u32 v2, v45;
	[tilespmem:v36+s19+$0x0] =	vst.idx.msk vm1, v52;
	v36 =	vld.idx.msk [tilespmem:v54+s6+$0x0], $0xffff  }
0x134: {  	v49 =	vor.u32 v3, v45;
	v48 =	vor.u32 v4, v45;
	v46 =	vor.u32 v6, v45;
	v25 =	vld.idx.msk [tilespmem:v42+s6+$0x0], $0xffff  }
0x135: {  	vm1 =	vgt.s32 v19, $0x12BFF;
	v39 =	vbroadcast v63, $0x0;
	v42 =	vbroadcast v26, $0x0;
	v26 =	vld.idx.msk [tilespmem:v47+s6+$0x0], $0xffff  }
0x136: {  	s0 =	simm.s32 $0x12E80;
	s3 =	simm.s32 $0x0;
	v40 =	vbroadcast v38, $0x0;
	v38 =	vbroadcast v55, $0x0;
	v47 =	vor.u32 v5, v45;
	v33 =	vld.idx.msk [tilespmem:v53+s6+$0x0], $0xffff  }
.LBB2_12:
0x137: {  	v52 =	vld [tilespmem:s0+$0x70];
	s3 =	sadd.s32 $0x10, s3;
	[tilespmem:v51+s19+$0x0] =	vst.idx.msk vm0, v35;
	v35 =	vor.u32 v7, v45;
	vm11 =	vgt.s32 v9, $0x12BFF;
	v45 =	vor.u32 v8, v45  }
0x138: {  	vm10 =	vgt.s32 v10, $0x12BFF;
	vm9 =	vgt.s32 v11, $0x12BFF;
	v9 =	vld [tilespmem:s0+$0xFFFFFF80];
	p1 =	slt.u32 s3, $0x3F0;
	[tilespmem:v50+s19+$0x0] =	vst.idx.msk vm2, v37;
	v37 =	vor.u32 v0, v43  }
0x139: {  	vm8 =	vgt.s32 v12, $0x12BFF;
	v42 =	vor.u32 v3, v42;
	v43 =	vor.u32 v2, v44;
	v20 =	vld [tilespmem:s0+$0xFFFFFF90]  }
0x13a: {  	vm7 =	vgt.s32 v13, $0x12BFF;
	v17 =	vld [tilespmem:s0+$0xFFFFFFA0];
	[tilespmem:v49+s19+$0x0] =	vst.idx.msk vm5, v31;
	v31 =	vor.u32 v4, v41;
	vm5 =	vgt.s32 v14, $0x12BFF  }
0x13b: {  	vm2 =	vgt.s32 v15, $0x12BFF;
	v15 =	vor.u32 v6, v40;
	v14 =	vor.u32 v5, v39;
	v18 =	vld [tilespmem:s0+$0xFFFFFFB0];
	[tilespmem:v48+s19+$0x0] =	vst.idx.msk vm6, v34  }
0x13c: {  	v19 =	vld [tilespmem:s0+$0xFFFFFFC0];
	v10 =	vadd.s32 $0xFFFED400, v52;
	[tilespmem:v47+s19+$0x0] =	vst.idx.msk vm4, v29;
	vm4 =	vgt.s32 v16, $0x12BFF;
	v16 =	vor.u32 v7, v38  }
0x13d: {  	v29 =	vadd.s32 $0xFFFED400, v9;
	vm0 =	vgt.s32 v9, $0x12BFF;
	v21 =	vld [tilespmem:s0+$0xFFFFFFD0];
	vm6 =	vgt.s32 v10, $0x0;
	[tilespmem:v46+s19+$0x0] =	vst.idx.msk vm3, v30  }
0x13e: {  	vm3 =	vgt.s32 v29, $0x0;
	v30 =	vadd.s32 $0xFFFED400, v20;
	v22 =	vld [tilespmem:s0+$0xFFFFFFE0];
	v10 =	vnsel vm6, $0x0, v10;
	[tilespmem:v35+s19+$0x0] =	vst.idx.msk vm1, v27  }
0x13f: {  	s30 =	sadd.s32 $0x100, s30;
	vm1 =	vgt.s32 v30, $0x0;
	v27 =	vadd.s32 $0xFFFED400, v17;
	v9 =	vld [tilespmem:s0+$0xFFFFFFF0];
	v34 =	vmin.u32 v10, $0x5AA0;
	[tilespmem:v45+s19+$0x0] =	vst.idx.msk vm11, v28  }
0x140: {  	s10 =	sadd.s32 $0xFFFFFF90, s30;
	s8 =	sadd.s32 $0xFFFFFFA0, s30;
	s9 =	sadd.s32 $0xFFFFFFB0, s30;
	v12 =	vmov s30;
	vm6 =	vgt.s32 v27, $0x0;
	v28 =	vadd.s32 $0xFFFED400, v18;
	v10 =	vld [tilespmem:s0+$0x0];
	[tilespmem:v37+s19+$0x0] =	vst.idx.msk vm10, v25  }
0x141: {  	s1 =	sadd.s32 $0xFFFFFFC0, s30;
	s23 =	sadd.s32 $0xFFFFFFD0, s30;
	s24 =	sadd.s32 $0xFFFFFFE0, s30;
	v13 =	vshrl.u32 v12, $0x7;
	vm10 =	vgt.s32 v28, $0x0;
	v25 =	vadd.s32 $0xFFFED400, v19;
	v11 =	vld [tilespmem:s0+$0x10];
	[tilespmem:v43+s19+$0x0] =	vst.idx.msk vm9, v23  }
0x142: {  	s18 =	sadd.s32 $0xFFFFFF10, s30;
	s13 =	sadd.s32 $0xFFFFFFF0, s30;
	v35 =	vshll.u32 v13, v1;
	vm9 =	vgt.s32 v25, $0x0;
	v23 =	vadd.s32 $0xFFFED400, v21;
	v12 =	vld [tilespmem:s0+$0x20];
	[tilespmem:v42+s19+$0x0] =	vst.idx.msk vm8, v24  }
0x143: {  	v35 =	vbroadcast v35, $0x0;
	vm8 =	vgt.s32 v23, $0x0;
	v24 =	vadd.s32 $0xFFFED400, v22;
	v13 =	vld [tilespmem:s0+$0x30];
	[tilespmem:v31+s19+$0x0] =	vst.idx.msk vm7, v26  }
0x144: {  	vm11 =	vgt.s32 v52, $0x12BFF;
	vm7 =	vgt.s32 v24, $0x0;
	v26 =	vadd.s32 $0xFFFED400, v9;
	v31 =	vld.idx.msk [tilespmem:v34+s6+$0x0], $0xffff;
	[tilespmem:v14+s19+$0x0] =	vst.idx.msk vm5, v32  }
0x145: {  	v34 =	vor.u32 v8, v35;
	vm5 =	vgt.s32 v26, $0x0;
	v32 =	vadd.s32 $0xFFFED400, v10;
	v14 =	vld [tilespmem:s0+$0x40];
	[tilespmem:v15+s19+$0x0] =	vst.idx.msk vm2, v33  }
0x146: {  	v29 =	vnsel vm3, $0x0, v29;
	vm2 =	vgt.s32 v32, $0x0;
	v33 =	vadd.s32 $0xFFFED400, v11;
	v15 =	vld [tilespmem:s0+$0x50];
	[tilespmem:v16+s19+$0x0] =	vst.idx.msk vm4, v36  }
0x147: {  	v30 =	vnsel vm1, $0x0, v30;
	vm1 =	vgt.s32 v33, $0x0;
	v35 =	vadd.s32 $0xFFFED400, v12;
	v16 =	vld [tilespmem:s0+$0x60]  }
0x148: {  	v27 =	vnsel vm6, $0x0, v27;
	vm3 =	vgt.s32 v35, $0x0;
	v36 =	vadd.s32 $0xFFFED400, v13  }
0x149: {  	v28 =	vnsel vm10, $0x0, v28;
	v25 =	vnsel vm9, $0x0, v25;
	vm4 =	vgt.s32 v36, $0x0  }
0x14a: {  	v23 =	vnsel vm8, $0x0, v23;
	v24 =	vnsel vm7, $0x0, v24;
	v37 =	vadd.s32 $0xFFFED400, v14;
	[tilespmem:v34+s19+$0x0] =	vst.idx.msk vm11, v31  }
0x14b: {  	v26 =	vnsel vm5, $0x0, v26;
	vm5 =	vgt.s32 v37, $0x0;
	v31 =	vadd.s32 $0xFFFED400, v15  }
0x14c: {  	v32 =	vnsel vm2, $0x0, v32;
	vm2 =	vgt.s32 v31, $0x0;
	v34 =	vadd.s32 $0xFFFED400, v16  }
0x14d: {  	v33 =	vnsel vm1, $0x0, v33;
	v35 =	vnsel vm3, $0x0, v35;
	vm1 =	vgt.s32 v34, $0x0  }
0x14e: {  	v36 =	vnsel vm4, $0x0, v36;
	v37 =	vnsel vm5, $0x0, v37;
	v31 =	vnsel vm2, $0x0, v31  }
0x14f: {  	v29 =	vmin.u32 v29, $0x5AA0;
	v30 =	vmin.u32 v30, $0x5AA0;
	v34 =	vnsel vm1, $0x0, v34  }
0x150: {  	v27 =	vmin.u32 v27, $0x5AA0;
	v28 =	vmin.u32 v28, $0x5AA0;
	v25 =	vmin.u32 v25, $0x5AA0  }
0x151: {  	v23 =	vmin.u32 v23, $0x5AA0;
	v24 =	vmin.u32 v24, $0x5AA0;
	v26 =	vmin.u32 v26, $0x5AA0  }
0x152: {  	v32 =	vmin.u32 v32, $0x5AA0;
	v33 =	vmin.u32 v33, $0x5AA0;
	v38 =	vmin.u32 v35, $0x5AA0  }
0x153: {  	v36 =	vmin.u32 v36, $0x5AA0;
	v46 =	vmin.u32 v37, $0x5AA0;
	v52 =	vmin.u32 v31, $0x5AA0  }
0x154: {  	v39 =	vmov s10;
	v53 =	vmin.u32 v34, $0x5AA0;
	v35 =	vld.idx.msk [tilespmem:v29+s6+$0x0], $0xffff;
	v29 =	vmov s18  }
0x155: {  	v40 =	vmov s9;
	v41 =	vmov s1;
	v37 =	vld.idx.msk [tilespmem:v30+s6+$0x0], $0xffff;
	v30 =	vmov s8  }
0x156: {  	v43 =	vmov s13;
	v42 =	vmov s24;
	v31 =	vld.idx.msk [tilespmem:v27+s6+$0x0], $0xffff;
	v27 =	vmov s23  }
0x157: {  	v44 =	vshrl.u32 v29, $0x7;
	v34 =	vld.idx.msk [tilespmem:v28+s6+$0x0], $0xffff;
	v28 =	vshrl.u32 v39, $0x7;
	v39 =	vshrl.u32 v30, $0x7  }
0x158: {  	v29 =	vld.idx.msk [tilespmem:v25+s6+$0x0], $0xffff;
	v25 =	vshrl.u32 v40, $0x7;
	v40 =	vshrl.u32 v41, $0x7;
	v41 =	vshrl.u32 v27, $0x7  }
0x159: {  	v44 =	vshll.u32 v44, v1;
	v30 =	vld.idx.msk [tilespmem:v23+s6+$0x0], $0xffff;
	v23 =	vshrl.u32 v42, $0x7;
	v42 =	vshrl.u32 v43, $0x7  }
0x15a: {  	v39 =	vshll.u32 v39, v1;
	v47 =	vshll.u32 v25, v1;
	v27 =	vld.idx.msk [tilespmem:v24+s6+$0x0], $0xffff;
	v24 =	vshll.u32 v28, v1  }
0x15b: {  	v48 =	vshll.u32 v23, v1;
	v28 =	vld.idx.msk [tilespmem:v26+s6+$0x0], $0xffff;
	v26 =	vshll.u32 v40, v1;
	v40 =	vshll.u32 v41, v1  }
0x15c: {  	v45 =	vbroadcast v44, $0x0;
	v43 =	vbroadcast v24, $0x0;
	v25 =	vld.idx.msk [tilespmem:v32+s6+$0x0], $0xffff;
	v32 =	vshll.u32 v42, v1  }
0x15d: {  	vm2 =	vgt.s32 v20, $0x12BFF;
	v44 =	vbroadcast v39, $0x0;
	v42 =	vbroadcast v47, $0x0;
	v23 =	vld.idx.msk [tilespmem:v33+s6+$0x0], $0xffff  }
.Ltmp7:
0x15e: {  	v51 =	vor.u32 v0, v45;
	v41 =	vbroadcast v26, $0x0;
	v39 =	vbroadcast v40, $0x0;
	v24 =	vld.idx.msk [tilespmem:v38+s6+$0x0], $0xffff;
	(pc) =	sbr.rel @p1 .LBB2_12-.Ltmp7, $4  }
0x15f: {  	v50 =	vor.u32 v2, v45;
	v40 =	vbroadcast v48, $0x0;
	v38 =	vbroadcast v32, $0x0;
	v26 =	vld.idx.msk [tilespmem:v36+s6+$0x0], $0xffff  }
0x160: {  	vm6 =	vgt.s32 v18, $0x12BFF;
	vm5 =	vgt.s32 v17, $0x12BFF;
	v49 =	vor.u32 v3, v45;
	v32 =	vld.idx.msk [tilespmem:v46+s6+$0x0], $0xffff  }
0x161: {  	vm4 =	vgt.s32 v19, $0x12BFF;
	v48 =	vor.u32 v4, v45;
	v47 =	vor.u32 v5, v45;
	v33 =	vld.idx.msk [tilespmem:v52+s6+$0x0], $0xffff  }
0x162: {  	s0 =	sadd.s32 $0x100, s0;
	vm3 =	vgt.s32 v21, $0x12BFF;
	vm1 =	vgt.s32 v22, $0x12BFF;
	v46 =	vor.u32 v6, v45;
	v36 =	vld.idx.msk [tilespmem:v53+s6+$0x0], $0xffff  }
0x163: {  	_ =	sdelay $0x4  }
0x164: {  	[tilespmem:v51+s19+$0x0] =	vst.idx.msk vm0, v35  }
0x165: {  	v17 =	vor.u32 v7, v45;
	vm12 =	vgt.s32 v9, $0x12BFF;
	[tilespmem:v50+s19+$0x0] =	vst.idx.msk vm2, v37  }
0x166: {  	v9 =	vor.u32 v8, v45;
	vm13 =	vgt.s32 v10, $0x12BFF;
	[tilespmem:v49+s19+$0x0] =	vst.idx.msk vm5, v31  }
0x167: {  	v10 =	vor.u32 v0, v43;
	vm14 =	vgt.s32 v11, $0x12BFF;
	[tilespmem:v48+s19+$0x0] =	vst.idx.msk vm6, v34  }
0x168: {  	v11 =	vor.u32 v2, v44;
	vm15 =	vgt.s32 v12, $0x12BFF;
	[tilespmem:v47+s19+$0x0] =	vst.idx.msk vm4, v29  }
0x169: {  	v12 =	vor.u32 v3, v42;
	vm8 =	vgt.s32 v13, $0x12BFF;
	[tilespmem:v46+s19+$0x0] =	vst.idx.msk vm3, v30  }
0x16a: {  	v13 =	vor.u32 v4, v41;
	vm9 =	vgt.s32 v14, $0x12BFF;
	[tilespmem:v17+s19+$0x0] =	vst.idx.msk vm1, v27  }
0x16b: {  	v14 =	vor.u32 v5, v39;
	vm10 =	vgt.s32 v15, $0x12BFF;
	[tilespmem:v9+s19+$0x0] =	vst.idx.msk vm12, v28  }
0x16c: {  	vm11 =	vgt.s32 v16, $0x12BFF;
	v9 =	vor.u32 v6, v40;
	[tilespmem:v10+s19+$0x0] =	vst.idx.msk vm13, v25  }
0x16d: {  	v10 =	vor.u32 v7, v38;
	[tilespmem:v11+s19+$0x0] =	vst.idx.msk vm14, v23  }
0x16e: {  	[tilespmem:v12+s19+$0x0] =	vst.idx.msk vm15, v24  }
0x16f: {  	s0 =	sshll.u32 s28, $0x11;
	[tilespmem:v13+s19+$0x0] =	vst.idx.msk vm8, v26  }
0x170: {  	s23 =	sadd.s32 s26, s5;
	s0 =	sor.u32 s29, s0;
	[tilespmem:v14+s19+$0x0] =	vst.idx.msk vm9, v32  }
0x171: {  	s29 =	sadd.s32 $0x1, s23;
	s0 =	sshrl.u32 s0, $0x3;
	[tilespmem:v9+s19+$0x0] =	vst.idx.msk vm10, v33  }
0x172: {  	s26 =	sshrl.u32 s29, $0x3;
	s0 =	sadd.s32 s7, s0;
	[tilespmem:v10+s19+$0x0] =	vst.idx.msk vm11, v36  }
0x173: {  	[hbm4b:s0+s11] =	stream.strided.scatter [tilespmem:s19], [sflag:$0x3], $0x4000, s12, s11, $0x38;
	[tilespmem:$0x1ED00] =	vst v63  }
0x174: {  	s1 =	sshll.u32 s29, $0x7;
	s0 =	smul.u32 $0xC3800, s26  }
0x175: {  	s28 =	sand.u32 $0x380, s1  }
0x176: {  	s1 =	sor.u32 s28, s0  }
0x177: {  	_ =	swait.ge [sflag:s17], $0x9580;
	s1 =	sadd.s32 $0x4AC00, s1  }
0x178: {  	[sflag:s17] =	ssyncset.done $0x0;
	s1 =	sshrl.u32 s1, $0x3  }
0x179: {  	[sflag:s17] =	ssyncadd.s32 $0xFFFF6A80;
	s1 =	sadd.s32 s2, s1  }
0x17a: {  	[tilespmem:s6], [sflag:$0x1] =	stream.strided.gather [hbm4b:s1+s11], $0x9680, s12, s11, $0x38;
	[tilespmem:$0x1ED00] =	vst v63  }
0x17b: {  	s1 =	simm.s32 @!p0 $0x4  }
0x17c: {  	_ =	swait.ge @!p0 [sflag:s1], $0x4000  }
0x17d: {  	[sflag:s1] =	ssyncset.done @!p0 $0x0  }
0x17e: {  	s24 =	simm.s32 $0x12D80;
	[sflag:s1] =	ssyncadd.s32 @!p0 $0xFFFFC000  }
0x17f: {  	v9 =	vld [tilespmem:s24+$0x70]  }
0x180: {  	v10 =	vld [tilespmem:s24+$0xFFFFFF90]  }
0x181: {  	v11 =	vld [tilespmem:s24+$0xFFFFFFA0]  }
0x182: {  	v12 =	vld [tilespmem:s24+$0xFFFFFFB0]  }
0x183: {  	v13 =	vld [tilespmem:s24+$0xFFFFFFC0]  }
0x184: {  	v14 =	vld [tilespmem:s24+$0xFFFFFFD0]  }
0x185: {  	v15 =	vld [tilespmem:s24+$0xFFFFFFE0]  }
0x186: {  	v60 =	vld [tilespmem:s24+$0xFFFFFFF0]  }
0x187: {  	v61 =	vld [tilespmem:s24+$0x0]  }
0x188: {  	v18 =	vld [tilespmem:s24+$0x10]  }
0x189: {  	v19 =	vld [tilespmem:s24+$0x20];
	vm12 =	vlt.s32 v9, $0x957F  }
0x18a: {  	v20 =	vld [tilespmem:s24+$0x30];
	vm13 =	vlt.s32 v10, $0x957F;
	v9 =	vnsel vm12, $0x957F, v9  }
0x18b: {  	v21 =	vld [tilespmem:s24+$0x40];
	vm14 =	vlt.s32 v11, $0x957F;
	v10 =	vnsel vm13, $0x957F, v10  }
0x18c: {  	v22 =	vld [tilespmem:s24+$0x50];
	vm15 =	vlt.s32 v12, $0x957F;
	v11 =	vnsel vm14, $0x957F, v11  }
0x18d: {  	v62 =	vld [tilespmem:s24+$0x60];
	vm4 =	vlt.s32 v13, $0x957F;
	v12 =	vnsel vm15, $0x957F, v12  }
0x18e: {  	v63 =	vld [tilespmem:s24+$0xFFFFFF80];
	vm5 =	vlt.s32 v14, $0x957F;
	v13 =	vnsel vm4, $0x957F, v13  }
0x18f: {  	vm6 =	vlt.s32 v15, $0x957F;
	v14 =	vnsel vm5, $0x957F, v14;
	v9 =	vld.idx.msk [tilespmem:v9+s15+$0x0], $0xffff  }
0x190: {  	vm7 =	vlt.s32 v60, $0x957F;
	v15 =	vnsel vm6, $0x957F, v15;
	v10 =	vld.idx.msk [tilespmem:v10+s15+$0x0], $0xffff  }
0x191: {  	vm8 =	vlt.s32 v61, $0x957F;
	v16 =	vnsel vm7, $0x957F, v60;
	v11 =	vld.idx.msk [tilespmem:v11+s15+$0x0], $0xffff  }
0x192: {  	vm9 =	vlt.s32 v18, $0x957F;
	v17 =	vnsel vm8, $0x957F, v61;
	v12 =	vld.idx.msk [tilespmem:v12+s15+$0x0], $0xffff  }
0x193: {  	vm10 =	vlt.s32 v19, $0x957F;
	v18 =	vnsel vm9, $0x957F, v18;
	v13 =	vld.idx.msk [tilespmem:v13+s15+$0x0], $0xffff  }
0x194: {  	s3 =	simm.s32 $0x1AD80;
	v19 =	vnsel vm10, $0x957F, v19;
	vm12 =	vlt.s32 v20, $0x957F;
	v14 =	vld.idx.msk [tilespmem:v14+s15+$0x0], $0xffff  }
0x195: {  	vm11 =	vlt.s32 v63, $0x957F;
	v20 =	vnsel vm12, $0x957F, v20;
	v15 =	vld.idx.msk [tilespmem:v15+s15+$0x0], $0xffff;
	[tilespmem:s3+$0x70] =	vst v9  }
0x196: {  	vm13 =	vlt.s32 v21, $0x957F;
	v16 =	vld.idx.msk [tilespmem:v16+s15+$0x0], $0xffff;
	v9 =	vnsel vm11, $0x957F, v63;
	[tilespmem:s3+$0xFFFFFF90] =	vst v10  }
0x197: {  	vm14 =	vlt.s32 v22, $0x957F;
	v21 =	vnsel vm13, $0x957F, v21;
	v17 =	vld.idx.msk [tilespmem:v17+s15+$0x0], $0xffff;
	[tilespmem:s3+$0xFFFFFFA0] =	vst v11  }
0x198: {  	vm15 =	vlt.s32 v62, $0x957F;
	v22 =	vnsel vm14, $0x957F, v22;
	v18 =	vld.idx.msk [tilespmem:v18+s15+$0x0], $0xffff;
	[tilespmem:s3+$0xFFFFFFB0] =	vst v12  }
0x199: {  	v23 =	vnsel vm15, $0x957F, v62;
	[tilespmem:s3+$0xFFFFFFC0] =	vst v13;
	v10 =	vld.idx.msk [tilespmem:v19+s15+$0x0], $0xffff  }
0x19a: {  	[tilespmem:s3+$0xFFFFFFD0] =	vst v14;
	v11 =	vld.idx.msk [tilespmem:v20+s15+$0x0], $0xffff  }
0x19b: {  	[tilespmem:s3+$0xFFFFFFE0] =	vst v15;
	v9 =	vld.idx.msk [tilespmem:v9+s15+$0x0], $0xffff  }
0x19c: {  	[tilespmem:s3+$0xFFFFFFF0] =	vst v16;
	v12 =	vld.idx.msk [tilespmem:v21+s15+$0x0], $0xffff  }
0x19d: {  	[tilespmem:s3+$0x0] =	vst v17;
	v13 =	vld.idx.msk [tilespmem:v22+s15+$0x0], $0xffff  }
0x19e: {  	s30 =	simm.s32 $0x0;
	s31 =	simm.s32 $0x12E80;
	[tilespmem:s3+$0x10] =	vst v18;
	v14 =	vld.idx.msk [tilespmem:v23+s15+$0x0], $0xffff  }
.LBB2_14:
0x19f: {  	v15 =	vld [tilespmem:s31+$0x70];
	s30 =	sadd.s32 $0x10, s30;
	[tilespmem:s3+$0x20] =	vst v10  }
0x1a0: {  	v10 =	vld [tilespmem:s31+$0xFFFFFF90];
	p0 =	slt.u32 s30, $0x3F0;
	[tilespmem:s3+$0xFFFFFF80] =	vst v9  }
0x1a1: {  	v9 =	vld [tilespmem:s31+$0xFFFFFFA0];
	[tilespmem:s3+$0x30] =	vst v11  }
0x1a2: {  	v11 =	vld [tilespmem:s31+$0xFFFFFFB0];
	[tilespmem:s3+$0x40] =	vst v12  }
0x1a3: {  	v12 =	vld [tilespmem:s31+$0xFFFFFFC0];
	[tilespmem:s3+$0x50] =	vst v13  }
0x1a4: {  	v13 =	vld [tilespmem:s31+$0xFFFFFFD0];
	vm0 =	vlt.s32 v15, $0x957F;
	[tilespmem:s3+$0x60] =	vst v14  }
0x1a5: {  	vm1 =	vlt.s32 v10, $0x957F;
	v14 =	vld [tilespmem:s31+$0xFFFFFFE0];
	v15 =	vnsel vm0, $0x957F, v15  }
0x1a6: {  	v10 =	vnsel vm1, $0x957F, v10;
	vm0 =	vlt.s32 v9, $0x957F;
	v16 =	vld [tilespmem:s31+$0xFFFFFFF0]  }
0x1a7: {  	v9 =	vnsel vm0, $0x957F, v9;
	vm0 =	vlt.s32 v11, $0x957F;
	v17 =	vld [tilespmem:s31+$0x0]  }
0x1a8: {  	v11 =	vnsel vm0, $0x957F, v11;
	vm0 =	vlt.s32 v12, $0x957F;
	v18 =	vld [tilespmem:s31+$0x10]  }
0x1a9: {  	v12 =	vnsel vm0, $0x957F, v12;
	vm0 =	vlt.s32 v13, $0x957F;
	v19 =	vld [tilespmem:s31+$0x20]  }
0x1aa: {  	v13 =	vnsel vm0, $0x957F, v13;
	vm0 =	vlt.s32 v14, $0x957F;
	v15 =	vld.idx.msk [tilespmem:v15+s15+$0x0], $0xffff  }
0x1ab: {  	v14 =	vnsel vm0, $0x957F, v14;
	vm0 =	vlt.s32 v16, $0x957F;
	v20 =	vld [tilespmem:s31+$0x30]  }
0x1ac: {  	v16 =	vnsel vm0, $0x957F, v16;
	vm0 =	vlt.s32 v17, $0x957F;
	v21 =	vld [tilespmem:s31+$0x40]  }
0x1ad: {  	v17 =	vnsel vm0, $0x957F, v17;
	vm0 =	vlt.s32 v18, $0x957F;
	v22 =	vld [tilespmem:s31+$0x50]  }
0x1ae: {  	v18 =	vnsel vm0, $0x957F, v18;
	vm0 =	vlt.s32 v19, $0x957F;
	v23 =	vld [tilespmem:s31+$0x60]  }
0x1af: {  	s3 =	sadd.s32 $0x100, s3;
	v24 =	vld [tilespmem:s31+$0xFFFFFF80];
	v19 =	vnsel vm0, $0x957F, v19  }
0x1b0: {  	v10 =	vld.idx.msk [tilespmem:v10+s15+$0x0], $0xffff;
	vm0 =	vlt.s32 v20, $0x957F;
	[tilespmem:s3+$0x70] =	vst v15  }
0x1b1: {  	v9 =	vld.idx.msk [tilespmem:v9+s15+$0x0], $0xffff;
	v15 =	vnsel vm0, $0x957F, v20;
	vm0 =	vlt.s32 v21, $0x957F  }
0x1b2: {  	v11 =	vld.idx.msk [tilespmem:v11+s15+$0x0], $0xffff;
	v20 =	vnsel vm0, $0x957F, v21;
	vm0 =	vlt.s32 v22, $0x957F  }
0x1b3: {  	v12 =	vld.idx.msk [tilespmem:v12+s15+$0x0], $0xffff;
	v21 =	vnsel vm0, $0x957F, v22;
	vm0 =	vlt.s32 v23, $0x957F  }
0x1b4: {  	vm1 =	vlt.s32 v24, $0x957F;
	v13 =	vld.idx.msk [tilespmem:v13+s15+$0x0], $0xffff;
	v22 =	vnsel vm0, $0x957F, v23  }
0x1b5: {  	v23 =	vnsel vm1, $0x957F, v24;
	v14 =	vld.idx.msk [tilespmem:v14+s15+$0x0], $0xffff  }
0x1b6: {  	[tilespmem:s3+$0xFFFFFF90] =	vst v10;
	v16 =	vld.idx.msk [tilespmem:v16+s15+$0x0], $0xffff  }
0x1b7: {  	[tilespmem:s3+$0xFFFFFFA0] =	vst v9;
	v17 =	vld.idx.msk [tilespmem:v17+s15+$0x0], $0xffff  }
0x1b8: {  	[tilespmem:s3+$0xFFFFFFB0] =	vst v11;
	v18 =	vld.idx.msk [tilespmem:v18+s15+$0x0], $0xffff  }
0x1b9: {  	[tilespmem:s3+$0xFFFFFFC0] =	vst v12;
	v10 =	vld.idx.msk [tilespmem:v19+s15+$0x0], $0xffff  }
.Ltmp8:
0x1ba: {  	v9 =	vld.idx.msk [tilespmem:v23+s15+$0x0], $0xffff;
	[tilespmem:s3+$0xFFFFFFD0] =	vst v13;
	(pc) =	sbr.rel @p0 .LBB2_14-.Ltmp8, $4  }
0x1bb: {  	[tilespmem:s3+$0xFFFFFFE0] =	vst v14;
	v11 =	vld.idx.msk [tilespmem:v15+s15+$0x0], $0xffff  }
0x1bc: {  	[tilespmem:s3+$0xFFFFFFF0] =	vst v16;
	v12 =	vld.idx.msk [tilespmem:v20+s15+$0x0], $0xffff  }
0x1bd: {  	[tilespmem:s3+$0x0] =	vst v17;
	v13 =	vld.idx.msk [tilespmem:v21+s15+$0x0], $0xffff  }
0x1be: {  	s31 =	sadd.s32 $0x100, s31;
	[tilespmem:s3+$0x10] =	vst v18;
	v14 =	vld.idx.msk [tilespmem:v22+s15+$0x0], $0xffff  }
0x1bf: {  	[tilespmem:s3+$0x20] =	vst v10  }
0x1c0: {  	[tilespmem:s3+$0xFFFFFF80] =	vst v9  }
0x1c1: {  	[tilespmem:s3+$0x30] =	vst v11  }
0x1c2: {  	[tilespmem:s3+$0x40] =	vst v12  }
0x1c3: {  	[tilespmem:s3+$0x50] =	vst v13  }
0x1c4: {  	s0 =	sadd.s32 s28, s0;
	[tilespmem:s3+$0x60] =	vst v14  }
0x1c5: {  	s0 =	sadd.s32 $0x96000, s0;
	_ =	swait.ge [sflag:s20], $0x9680  }
0x1c6: {  	s0 =	sshrl.u32 s0, $0x3;
	[sflag:s20] =	ssyncset.done $0x0  }
0x1c7: {  	s10 =	sshll.u32 s26, $0xB;
	s0 =	sadd.s32 s2, s0;
	[sflag:s20] =	ssyncadd.s32 $0xFFFF6980  }
0x1c8: {  	[tilespmem:s15], [sflag:$0x2] =	stream.strided.gather [hbm4b:s0+s11], $0x5A00, s12, s11, $0x38;
	[tilespmem:$0x1ED00] =	vst v63  }
0x1c9: {  	s0 =	sor.u32 s28, s10  }
0x1ca: {  	s0 =	sshrl.u32 s0, $0x3  }
0x1cb: {  	s13 =	simm.s32 $0x12D80;
	s0 =	sadd.s32 s4, s0  }
0x1cc: {  	[tilespmem:s21], [sflag:$0x2] =	stream.strided.gather [hbm4b:s0+s11], $0x100, s12, s11, $0x38;
	[tilespmem:$0x1ED00] =	vst v63  }
0x1cd: {  	v14 =	vld [tilespmem:s13+$0x70]  }
0x1ce: {  	v9 =	vld [tilespmem:s13+$0xFFFFFF80]  }
0x1cf: {  	v22 =	vld [tilespmem:s13+$0xFFFFFF90]  }
0x1d0: {  	v21 =	vld [tilespmem:s13+$0xFFFFFFA0]  }
0x1d1: {  	v20 =	vld [tilespmem:s13+$0xFFFFFFB0]  }
0x1d2: {  	s30 =	simm.s32 $0xF0;
	v18 =	vld [tilespmem:s13+$0xFFFFFFC0]  }
0x1d3: {  	v12 =	vmov s30;
	v17 =	vld [tilespmem:s13+$0xFFFFFFD0]  }
0x1d4: {  	v13 =	vshrl.u32 v12, $0x7;
	v19 =	vld [tilespmem:s13+$0xFFFFFFE0]  }
0x1d5: {  	v28 =	vshll.u32 v13, v1;
	s10 =	simm.s32 $0xE0;
	v11 =	vld [tilespmem:s13+$0x10]  }
0x1d6: {  	s9 =	simm.s32 $0xB0;
	v28 =	vbroadcast v28, $0x0;
	v43 =	vmov s10;
	v12 =	vld [tilespmem:s13+$0x20]  }
0x1d7: {  	s31 =	simm.s32 $0xD0;
	v61 =	vmov s9;
	v44 =	vshrl.u32 v43, $0x7;
	v13 =	vld [tilespmem:s13+$0x30]  }
0x1d8: {  	v62 =	vmov s31;
	v37 =	vor.u32 v8, v28;
	v55 =	vshll.u32 v44, v1  }
0x1d9: {  	v10 =	vadd.s32 $0xFFFF6A80, v14;
	v15 =	vadd.s32 $0xFFFF6A80, v9;
	vm0 =	vgt.s32 v9, $0x957F  }
0x1da: {  	v16 =	vadd.s32 $0xFFFF6A80, v22;
	v23 =	vadd.s32 $0xFFFF6A80, v21;
	v25 =	vadd.s32 $0xFFFF6A80, v20  }
0x1db: {  	v26 =	vadd.s32 $0xFFFF6A80, v18;
	v27 =	vadd.s32 $0xFFFF6A80, v17;
	v29 =	vadd.s32 $0xFFFF6A80, v19  }
0x1dc: {  	v32 =	vadd.s32 $0xFFFF6A80, v11;
	v34 =	vadd.s32 $0xFFFF6A80, v12;
	v35 =	vadd.s32 $0xFFFF6A80, v13  }
0x1dd: {  	vm1 =	vgt.s32 v10, $0x0;
	vm2 =	vgt.s32 v15, $0x0;
	vm3 =	vgt.s32 v16, $0x0  }
0x1de: {  	vm4 =	vgt.s32 v23, $0x0;
	vm5 =	vgt.s32 v25, $0x0;
	vm6 =	vgt.s32 v26, $0x0  }
0x1df: {  	vm7 =	vgt.s32 v27, $0x0;
	vm8 =	vgt.s32 v29, $0x0;
	v10 =	vnsel vm1, $0x0, v10  }
0x1e0: {  	vm1 =	vgt.s32 v14, $0x957F;
	v28 =	vnsel vm2, $0x0, v15;
	v33 =	vnsel vm3, $0x0, v16  }
0x1e1: {  	vm3 =	vgt.s32 v32, $0x0;
	v23 =	vnsel vm4, $0x0, v23;
	vm4 =	vgt.s32 v34, $0x0  }
0x1e2: {  	v9 =	vld [tilespmem:s13+$0xFFFFFFF0];
	v25 =	vnsel vm5, $0x0, v25;
	v26 =	vnsel vm6, $0x0, v26;
	vm5 =	vgt.s32 v35, $0x0  }
0x1e3: {  	v14 =	vld [tilespmem:s13+$0x40];
	v27 =	vnsel vm7, $0x0, v27;
	v29 =	vnsel vm8, $0x0, v29;
	v24 =	vmin.u32 v10, $0x967F  }
0x1e4: {  	v15 =	vld [tilespmem:s13+$0x50];
	v32 =	vnsel vm3, $0x0, v32;
	v34 =	vnsel vm4, $0x0, v34;
	v35 =	vnsel vm5, $0x0, v35  }
0x1e5: {  	v16 =	vld [tilespmem:s13+$0x60];
	v28 =	vmin.u32 v28, $0x967F;
	v33 =	vmin.u32 v33, $0x967F;
	v23 =	vmin.u32 v23, $0x967F  }
0x1e6: {  	s23 =	simm.s32 $0x90;
	v10 =	vld [tilespmem:s13+$0x0];
	v25 =	vmin.u32 v25, $0x967F;
	v26 =	vmin.u32 v26, $0x967F;
	v27 =	vmin.u32 v27, $0x967F  }
0x1e7: {  	v40 =	vmin.u32 v29, $0x967F;
	v29 =	vmov s23;
	vm5 =	vgt.s32 v21, $0x957F  }
0x1e8: {  	vm4 =	vgt.s32 v18, $0x957F;
	v32 =	vmin.u32 v32, $0x967F;
	v30 =	vadd.s32 $0xFFFF6A80, v9  }
0x1e9: {  	v34 =	vmin.u32 v34, $0x967F;
	v47 =	vmin.u32 v35, $0x967F;
	vm9 =	vgt.s32 v30, $0x0  }
0x1ea: {  	v36 =	vadd.s32 $0xFFFF6A80, v14;
	v30 =	vnsel vm9, $0x0, v30;
	v38 =	vadd.s32 $0xFFFF6A80, v15  }
0x1eb: {  	s1 =	simm.s32 $0x0;
	v39 =	vadd.s32 $0xFFFF6A80, v16;
	v31 =	vadd.s32 $0xFFFF6A80, v10;
	vm6 =	vgt.s32 v36, $0x0  }
0x1ec: {  	s18 =	simm.s32 $0x80;
	s8 =	simm.s32 $0xA0;
	vm3 =	vgt.s32 v39, $0x0;
	v41 =	vmin.u32 v30, $0x967F;
	v46 =	vld.idx.msk [tilespmem:v24+s6+$0x0], $0xffff;
	v24 =	vmov s1  }
0x1ed: {  	v35 =	vld.idx.msk [tilespmem:v28+s6+$0x0], $0xffff;
	v28 =	vmov s18;
	v30 =	vmov s8;
	v36 =	vnsel vm6, $0x0, v36  }
0x1ee: {  	vm2 =	vgt.s32 v31, $0x0;
	v39 =	vnsel vm3, $0x0, v39;
	v48 =	vmin.u32 v36, $0x967F;
	v36 =	vld.idx.msk [tilespmem:v33+s6+$0x0], $0xffff  }
0x1ef: {  	v24 =	vshrl.u32 v24, $0x7;
	vm6 =	vgt.s32 v20, $0x957F;
	vm3 =	vgt.s32 v17, $0x957F;
	v33 =	vld.idx.msk [tilespmem:v25+s6+$0x0], $0xffff  }
0x1f0: {  	v31 =	vnsel vm2, $0x0, v31;
	v25 =	vshrl.u32 v28, $0x7;
	v28 =	vshrl.u32 v29, $0x7;
	v29 =	vld.idx.msk [tilespmem:v26+s6+$0x0], $0xffff  }
0x1f1: {  	vm2 =	vgt.s32 v38, $0x0;
	v53 =	vmin.u32 v39, $0x967F;
	v26 =	vshrl.u32 v30, $0x7;
	v30 =	vld.idx.msk [tilespmem:v27+s6+$0x0], $0xffff  }
0x1f2: {  	s24 =	simm.s32 $0xC0;
	v24 =	vshll.u32 v24, v1;
	v39 =	vshrl.u32 v62, $0x7;
	v27 =	vld.idx.msk [tilespmem:v40+s6+$0x0], $0xffff;
	v38 =	vnsel vm2, $0x0, v38  }
0x1f3: {  	v42 =	vmin.u32 v31, $0x967F;
	v31 =	vld.idx.msk [tilespmem:v23+s6+$0x0], $0xffff;
	v23 =	vmov s24;
	v63 =	vshll.u32 v25, v1  }
0x1f4: {  	v49 =	vshll.u32 v28, v1;
	v26 =	vshll.u32 v26, v1;
	v45 =	vbroadcast v24, $0x0;
	v24 =	vld.idx.msk [tilespmem:v34+s6+$0x0], $0xffff  }
0x1f5: {  	v54 =	vshll.u32 v39, v1;
	vm2 =	vgt.s32 v22, $0x957F;
	v23 =	vshrl.u32 v23, $0x7;
	v28 =	vld.idx.msk [tilespmem:v41+s6+$0x0], $0xffff  }
0x1f6: {  	v52 =	vmin.u32 v38, $0x967F;
	v38 =	vshrl.u32 v61, $0x7;
	v50 =	vshll.u32 v23, v1;
	v23 =	vld.idx.msk [tilespmem:v32+s6+$0x0], $0xffff  }
0x1f7: {  	v43 =	vbroadcast v63, $0x0;
	v44 =	vbroadcast v49, $0x0;
	v51 =	vor.u32 v0, v45;
	v32 =	vld.idx.msk [tilespmem:v48+s6+$0x0], $0xffff  }
0x1f8: {  	v40 =	vbroadcast v54, $0x0;
	[tilespmem:v37+s22+$0x0] =	vst.idx.msk vm1, v46;
	v39 =	vbroadcast v50, $0x0;
	v50 =	vor.u32 v2, v45;
	v37 =	vld.idx.msk [tilespmem:v53+s6+$0x0], $0xffff  }
0x1f9: {  	v38 =	vshll.u32 v38, v1;
	v49 =	vor.u32 v3, v45;
	v46 =	vor.u32 v6, v45;
	v25 =	vld.idx.msk [tilespmem:v42+s6+$0x0], $0xffff  }
0x1fa: {  	vm1 =	vgt.s32 v19, $0x957F;
	v41 =	vbroadcast v38, $0x0;
	v42 =	vbroadcast v26, $0x0;
	v26 =	vld.idx.msk [tilespmem:v47+s6+$0x0], $0xffff  }
0x1fb: {  	s3 =	simm.s32 $0x0;
	s0 =	simm.s32 $0x12E80;
	v38 =	vbroadcast v55, $0x0;
	v48 =	vor.u32 v4, v45;
	v47 =	vor.u32 v5, v45;
	v34 =	vld.idx.msk [tilespmem:v52+s6+$0x0], $0xffff  }
.LBB2_16:
0x1fc: {  	v52 =	vld [tilespmem:s0+$0x70];
	s3 =	sadd.s32 $0x10, s3;
	[tilespmem:v51+s22+$0x0] =	vst.idx.msk vm0, v35;
	v35 =	vor.u32 v7, v45;
	vm11 =	vgt.s32 v9, $0x957F;
	v45 =	vor.u32 v8, v45  }
0x1fd: {  	vm10 =	vgt.s32 v10, $0x957F;
	vm9 =	vgt.s32 v11, $0x957F;
	v9 =	vld [tilespmem:s0+$0xFFFFFF80];
	p0 =	slt.u32 s3, $0x3F0;
	[tilespmem:v50+s22+$0x0] =	vst.idx.msk vm2, v36;
	v36 =	vor.u32 v0, v43  }
0x1fe: {  	vm8 =	vgt.s32 v12, $0x957F;
	v42 =	vor.u32 v3, v42;
	v43 =	vor.u32 v2, v44;
	v20 =	vld [tilespmem:s0+$0xFFFFFF90]  }
0x1ff: {  	vm7 =	vgt.s32 v13, $0x957F;
	v17 =	vld [tilespmem:s0+$0xFFFFFFA0];
	[tilespmem:v49+s22+$0x0] =	vst.idx.msk vm5, v31;
	v31 =	vor.u32 v4, v41;
	vm5 =	vgt.s32 v14, $0x957F  }
0x200: {  	vm2 =	vgt.s32 v15, $0x957F;
	v15 =	vor.u32 v6, v40;
	v14 =	vor.u32 v5, v39;
	v18 =	vld [tilespmem:s0+$0xFFFFFFB0];
	[tilespmem:v48+s22+$0x0] =	vst.idx.msk vm6, v33  }
0x201: {  	v19 =	vld [tilespmem:s0+$0xFFFFFFC0];
	v10 =	vadd.s32 $0xFFFF6A80, v52;
	[tilespmem:v47+s22+$0x0] =	vst.idx.msk vm4, v29;
	vm4 =	vgt.s32 v16, $0x957F;
	v16 =	vor.u32 v7, v38  }
0x202: {  	v29 =	vadd.s32 $0xFFFF6A80, v9;
	vm0 =	vgt.s32 v9, $0x957F;
	v21 =	vld [tilespmem:s0+$0xFFFFFFD0];
	vm6 =	vgt.s32 v10, $0x0;
	[tilespmem:v46+s22+$0x0] =	vst.idx.msk vm3, v30  }
0x203: {  	vm3 =	vgt.s32 v29, $0x0;
	v30 =	vadd.s32 $0xFFFF6A80, v20;
	v22 =	vld [tilespmem:s0+$0xFFFFFFE0];
	v10 =	vnsel vm6, $0x0, v10;
	[tilespmem:v35+s22+$0x0] =	vst.idx.msk vm1, v27  }
0x204: {  	s30 =	sadd.s32 $0x100, s30;
	vm1 =	vgt.s32 v30, $0x0;
	v27 =	vadd.s32 $0xFFFF6A80, v17;
	v9 =	vld [tilespmem:s0+$0xFFFFFFF0];
	v33 =	vmin.u32 v10, $0x967F;
	[tilespmem:v45+s22+$0x0] =	vst.idx.msk vm11, v28  }
0x205: {  	s10 =	sadd.s32 $0xFFFFFF90, s30;
	s8 =	sadd.s32 $0xFFFFFFA0, s30;
	s9 =	sadd.s32 $0xFFFFFFB0, s30;
	v12 =	vmov s30;
	vm6 =	vgt.s32 v27, $0x0;
	v28 =	vadd.s32 $0xFFFF6A80, v18;
	v10 =	vld [tilespmem:s0+$0x0];
	[tilespmem:v36+s22+$0x0] =	vst.idx.msk vm10, v25  }
0x206: {  	s1 =	sadd.s32 $0xFFFFFFC0, s30;
	s23 =	sadd.s32 $0xFFFFFFD0, s30;
	s24 =	sadd.s32 $0xFFFFFFE0, s30;
	v13 =	vshrl.u32 v12, $0x7;
	vm10 =	vgt.s32 v28, $0x0;
	v25 =	vadd.s32 $0xFFFF6A80, v19;
	v11 =	vld [tilespmem:s0+$0x10];
	[tilespmem:v43+s22+$0x0] =	vst.idx.msk vm9, v23  }
0x207: {  	s18 =	sadd.s32 $0xFFFFFF10, s30;
	s13 =	sadd.s32 $0xFFFFFFF0, s30;
	v35 =	vshll.u32 v13, v1;
	vm9 =	vgt.s32 v25, $0x0;
	v23 =	vadd.s32 $0xFFFF6A80, v21;
	v12 =	vld [tilespmem:s0+$0x20];
	[tilespmem:v42+s22+$0x0] =	vst.idx.msk vm8, v24  }
0x208: {  	v35 =	vbroadcast v35, $0x0;
	vm8 =	vgt.s32 v23, $0x0;
	v24 =	vadd.s32 $0xFFFF6A80, v22;
	v13 =	vld [tilespmem:s0+$0x30];
	[tilespmem:v31+s22+$0x0] =	vst.idx.msk vm7, v26  }
0x209: {  	vm11 =	vgt.s32 v52, $0x957F;
	vm7 =	vgt.s32 v24, $0x0;
	v26 =	vadd.s32 $0xFFFF6A80, v9;
	v31 =	vld.idx.msk [tilespmem:v33+s6+$0x0], $0xffff;
	[tilespmem:v14+s22+$0x0] =	vst.idx.msk vm5, v32  }
0x20a: {  	v33 =	vor.u32 v8, v35;
	vm5 =	vgt.s32 v26, $0x0;
	v32 =	vadd.s32 $0xFFFF6A80, v10;
	v14 =	vld [tilespmem:s0+$0x40];
	[tilespmem:v15+s22+$0x0] =	vst.idx.msk vm2, v34  }
0x20b: {  	v29 =	vnsel vm3, $0x0, v29;
	vm2 =	vgt.s32 v32, $0x0;
	v34 =	vadd.s32 $0xFFFF6A80, v11;
	v15 =	vld [tilespmem:s0+$0x50];
	[tilespmem:v16+s22+$0x0] =	vst.idx.msk vm4, v37  }
0x20c: {  	v30 =	vnsel vm1, $0x0, v30;
	vm1 =	vgt.s32 v34, $0x0;
	v35 =	vadd.s32 $0xFFFF6A80, v12;
	v16 =	vld [tilespmem:s0+$0x60]  }
0x20d: {  	v27 =	vnsel vm6, $0x0, v27;
	vm3 =	vgt.s32 v35, $0x0;
	v36 =	vadd.s32 $0xFFFF6A80, v13  }
0x20e: {  	v28 =	vnsel vm10, $0x0, v28;
	v25 =	vnsel vm9, $0x0, v25;
	vm4 =	vgt.s32 v36, $0x0  }
0x20f: {  	v23 =	vnsel vm8, $0x0, v23;
	v24 =	vnsel vm7, $0x0, v24;
	v37 =	vadd.s32 $0xFFFF6A80, v14;
	[tilespmem:v33+s22+$0x0] =	vst.idx.msk vm11, v31  }
0x210: {  	v26 =	vnsel vm5, $0x0, v26;
	vm5 =	vgt.s32 v37, $0x0;
	v31 =	vadd.s32 $0xFFFF6A80, v15  }
0x211: {  	v32 =	vnsel vm2, $0x0, v32;
	vm2 =	vgt.s32 v31, $0x0;
	v33 =	vadd.s32 $0xFFFF6A80, v16  }
0x212: {  	v34 =	vnsel vm1, $0x0, v34;
	v35 =	vnsel vm3, $0x0, v35;
	vm1 =	vgt.s32 v33, $0x0  }
0x213: {  	v36 =	vnsel vm4, $0x0, v36;
	v37 =	vnsel vm5, $0x0, v37;
	v31 =	vnsel vm2, $0x0, v31  }
0x214: {  	v29 =	vmin.u32 v29, $0x967F;
	v30 =	vmin.u32 v30, $0x967F;
	v33 =	vnsel vm1, $0x0, v33  }
0x215: {  	v27 =	vmin.u32 v27, $0x967F;
	v28 =	vmin.u32 v28, $0x967F;
	v25 =	vmin.u32 v25, $0x967F  }
0x216: {  	v23 =	vmin.u32 v23, $0x967F;
	v24 =	vmin.u32 v24, $0x967F;
	v26 =	vmin.u32 v26, $0x967F  }
0x217: {  	v32 =	vmin.u32 v32, $0x967F;
	v34 =	vmin.u32 v34, $0x967F;
	v38 =	vmin.u32 v35, $0x967F  }
0x218: {  	v40 =	vmin.u32 v36, $0x967F;
	v37 =	vmin.u32 v37, $0x967F;
	v46 =	vmin.u32 v31, $0x967F  }
0x219: {  	v39 =	vmov s10;
	v52 =	vmin.u32 v33, $0x967F;
	v35 =	vld.idx.msk [tilespmem:v29+s6+$0x0], $0xffff;
	v29 =	vmov s18  }
0x21a: {  	v41 =	vmov s9;
	v42 =	vmov s1;
	v36 =	vld.idx.msk [tilespmem:v30+s6+$0x0], $0xffff;
	v30 =	vmov s8  }
0x21b: {  	v44 =	vmov s13;
	v43 =	vmov s24;
	v31 =	vld.idx.msk [tilespmem:v27+s6+$0x0], $0xffff;
	v27 =	vmov s23  }
0x21c: {  	v45 =	vshrl.u32 v29, $0x7;
	v33 =	vld.idx.msk [tilespmem:v28+s6+$0x0], $0xffff;
	v28 =	vshrl.u32 v39, $0x7;
	v39 =	vshrl.u32 v30, $0x7  }
0x21d: {  	v29 =	vld.idx.msk [tilespmem:v25+s6+$0x0], $0xffff;
	v25 =	vshrl.u32 v41, $0x7;
	v41 =	vshrl.u32 v42, $0x7;
	v42 =	vshrl.u32 v27, $0x7  }
0x21e: {  	v44 =	vshrl.u32 v44, $0x7;
	v45 =	vshll.u32 v45, v1;
	v30 =	vld.idx.msk [tilespmem:v23+s6+$0x0], $0xffff;
	v23 =	vshrl.u32 v43, $0x7  }
0x21f: {  	v39 =	vshll.u32 v39, v1;
	v47 =	vshll.u32 v25, v1;
	v27 =	vld.idx.msk [tilespmem:v24+s6+$0x0], $0xffff;
	v24 =	vshll.u32 v28, v1  }
0x220: {  	v48 =	vshll.u32 v42, v1;
	v49 =	vshll.u32 v23, v1;
	v28 =	vld.idx.msk [tilespmem:v26+s6+$0x0], $0xffff;
	v26 =	vshll.u32 v41, v1  }
0x221: {  	v45 =	vbroadcast v45, $0x0;
	v43 =	vbroadcast v24, $0x0;
	v25 =	vld.idx.msk [tilespmem:v32+s6+$0x0], $0xffff;
	v32 =	vshll.u32 v44, v1  }
0x222: {  	vm2 =	vgt.s32 v20, $0x957F;
	v42 =	vbroadcast v47, $0x0;
	v44 =	vbroadcast v39, $0x0;
	v23 =	vld.idx.msk [tilespmem:v34+s6+$0x0], $0xffff  }
.Ltmp9:
0x223: {  	v51 =	vor.u32 v0, v45;
	v41 =	vbroadcast v26, $0x0;
	v39 =	vbroadcast v48, $0x0;
	v24 =	vld.idx.msk [tilespmem:v38+s6+$0x0], $0xffff;
	(pc) =	sbr.rel @p0 .LBB2_16-.Ltmp9, $4  }
0x224: {  	v50 =	vor.u32 v2, v45;
	v38 =	vbroadcast v32, $0x0;
	v26 =	vld.idx.msk [tilespmem:v40+s6+$0x0], $0xffff;
	v40 =	vbroadcast v49, $0x0  }
0x225: {  	vm6 =	vgt.s32 v18, $0x957F;
	vm5 =	vgt.s32 v17, $0x957F;
	v49 =	vor.u32 v3, v45;
	v32 =	vld.idx.msk [tilespmem:v37+s6+$0x0], $0xffff  }
0x226: {  	vm4 =	vgt.s32 v19, $0x957F;
	v47 =	vor.u32 v5, v45;
	v48 =	vor.u32 v4, v45;
	v34 =	vld.idx.msk [tilespmem:v46+s6+$0x0], $0xffff  }
0x227: {  	s0 =	sadd.s32 $0x100, s0;
	vm3 =	vgt.s32 v21, $0x957F;
	vm1 =	vgt.s32 v22, $0x957F;
	v46 =	vor.u32 v6, v45;
	v37 =	vld.idx.msk [tilespmem:v52+s6+$0x0], $0xffff  }
0x228: {  	_ =	sdelay $0x4  }
0x229: {  	[tilespmem:v51+s22+$0x0] =	vst.idx.msk vm0, v35  }
0x22a: {  	v17 =	vor.u32 v7, v45;
	vm0 =	vgt.s32 v9, $0x957F;
	[tilespmem:v50+s22+$0x0] =	vst.idx.msk vm2, v36  }
0x22b: {  	v9 =	vor.u32 v8, v45;
	vm2 =	vgt.s32 v10, $0x957F;
	[tilespmem:v49+s22+$0x0] =	vst.idx.msk vm5, v31  }
0x22c: {  	v10 =	vor.u32 v0, v43;
	vm5 =	vgt.s32 v11, $0x957F;
	[tilespmem:v48+s22+$0x0] =	vst.idx.msk vm6, v33  }
0x22d: {  	v11 =	vor.u32 v2, v44;
	vm6 =	vgt.s32 v12, $0x957F;
	[tilespmem:v47+s22+$0x0] =	vst.idx.msk vm4, v29  }
0x22e: {  	v12 =	vor.u32 v3, v42;
	vm4 =	vgt.s32 v13, $0x957F;
	[tilespmem:v46+s22+$0x0] =	vst.idx.msk vm3, v30  }
0x22f: {  	v13 =	vor.u32 v4, v41;
	vm3 =	vgt.s32 v14, $0x957F;
	[tilespmem:v17+s22+$0x0] =	vst.idx.msk vm1, v27  }
0x230: {  	v14 =	vor.u32 v5, v39;
	vm1 =	vgt.s32 v15, $0x957F;
	[tilespmem:v9+s22+$0x0] =	vst.idx.msk vm0, v28  }
0x231: {  	v9 =	vor.u32 v6, v40;
	vm0 =	vgt.s32 v16, $0x957F;
	[tilespmem:v10+s22+$0x0] =	vst.idx.msk vm2, v25  }
0x232: {  	v10 =	vor.u32 v7, v38;
	[tilespmem:v11+s22+$0x0] =	vst.idx.msk vm5, v23  }
0x233: {  	[tilespmem:v12+s22+$0x0] =	vst.idx.msk vm6, v24  }
0x234: {  	[tilespmem:v13+s22+$0x0] =	vst.idx.msk vm4, v26  }
0x235: {  	p0 =	slt.s32 s29, $0x33E;
	[tilespmem:v14+s22+$0x0] =	vst.idx.msk vm3, v32  }
0x236: {  	s29 =	simm.s32 @!p0 $0x33E;
	[tilespmem:v9+s22+$0x0] =	vst.idx.msk vm1, v34  }
0x237: {  	s0 =	sadd.s32 $0x1, s29;
	[tilespmem:v10+s22+$0x0] =	vst.idx.msk vm0, v37  }
0x238: {  	s1 =	sshrl.u32 s0, $0x3;
	_ =	swait.ge [sflag:s17], $0x5A00  }
0x239: {  	s0 =	sshll.u32 s0, $0x7;
	s1 =	smul.u32 $0xC3800, s1;
	[sflag:s17] =	ssyncset.done $0x0  }
0x23a: {  	s0 =	sand.u32 $0x380, s0;
	[sflag:s17] =	ssyncadd.s32 $0xFFFFA600  }
0x23b: {  	s0 =	sor.u32 s0, s1;
	_ =	swait.ge [sflag:s17], $0x100  }
0x23c: {  	s0 =	sshrl.u32 s0, $0x3;
	[sflag:s17] =	ssyncset.done $0x0  }
0x23d: {  	s18 =	simm.s32 $0x12D80;
	s0 =	sadd.s32 s2, s0;
	[sflag:s17] =	ssyncadd.s32 $0xFFFFFF00  }
0x23e: {  	[tilespmem:s6], [sflag:$0x1] =	stream.strided.gather [hbm4b:s0+s11], $0x9580, s12, s11, $0x38;
	[tilespmem:$0x1ED00] =	vst v63  }
0x23f: {  	v14 =	vld [tilespmem:s18+$0x70]  }
0x240: {  	v9 =	vld [tilespmem:s18+$0xFFFFFF80]  }
0x241: {  	v22 =	vld [tilespmem:s18+$0xFFFFFF90]  }
0x242: {  	v21 =	vld [tilespmem:s18+$0xFFFFFFA0]  }
0x243: {  	v20 =	vld [tilespmem:s18+$0xFFFFFFB0]  }
0x244: {  	s29 =	simm.s32 $0xF0;
	v18 =	vld [tilespmem:s18+$0xFFFFFFC0]  }
0x245: {  	v12 =	vmov s29;
	v17 =	vld [tilespmem:s18+$0xFFFFFFD0]  }
0x246: {  	v13 =	vshrl.u32 v12, $0x7;
	v19 =	vld [tilespmem:s18+$0xFFFFFFE0]  }
0x247: {  	v28 =	vshll.u32 v13, v1;
	v11 =	vld [tilespmem:s18+$0x10]  }
0x248: {  	v28 =	vbroadcast v28, $0x0;
	v12 =	vld [tilespmem:s18+$0x20]  }
0x249: {  	v13 =	vld [tilespmem:s18+$0x30]  }
0x24a: {  	v36 =	vor.u32 v8, v28  }
0x24b: {  	v10 =	vadd.s32 $0xFFFED400, v14;
	v15 =	vadd.s32 $0xFFFED400, v9;
	vm0 =	vgt.s32 v9, $0x12BFF  }
0x24c: {  	v16 =	vadd.s32 $0xFFFED400, v22;
	v23 =	vadd.s32 $0xFFFED400, v21;
	v25 =	vadd.s32 $0xFFFED400, v20  }
0x24d: {  	v26 =	vadd.s32 $0xFFFED400, v18;
	v27 =	vadd.s32 $0xFFFED400, v17;
	v29 =	vadd.s32 $0xFFFED400, v19  }
0x24e: {  	v55 =	vadd.s32 $0xFFFED400, v11;
	v57 =	vadd.s32 $0xFFFED400, v12;
	v58 =	vadd.s32 $0xFFFED400, v13  }
0x24f: {  	vm1 =	vgt.s32 v10, $0x0;
	vm2 =	vgt.s32 v15, $0x0;
	vm3 =	vgt.s32 v16, $0x0  }
0x250: {  	vm4 =	vgt.s32 v23, $0x0;
	vm5 =	vgt.s32 v25, $0x0;
	vm6 =	vgt.s32 v26, $0x0  }
0x251: {  	vm7 =	vgt.s32 v27, $0x0;
	vm8 =	vgt.s32 v29, $0x0;
	v10 =	vnsel vm1, $0x0, v10  }
0x252: {  	vm1 =	vgt.s32 v14, $0x12BFF;
	v28 =	vnsel vm2, $0x0, v15;
	v56 =	vnsel vm3, $0x0, v16  }
0x253: {  	vm3 =	vgt.s32 v55, $0x0;
	v23 =	vnsel vm4, $0x0, v23;
	vm4 =	vgt.s32 v57, $0x0  }
0x254: {  	v9 =	vld [tilespmem:s18+$0xFFFFFFF0];
	v25 =	vnsel vm5, $0x0, v25;
	v26 =	vnsel vm6, $0x0, v26;
	vm5 =	vgt.s32 v58, $0x0  }
0x255: {  	v14 =	vld [tilespmem:s18+$0x40];
	v27 =	vnsel vm7, $0x0, v27;
	v29 =	vnsel vm8, $0x0, v29;
	v24 =	vmin.u32 v10, $0x5AA0  }
0x256: {  	v15 =	vld [tilespmem:s18+$0x50];
	v32 =	vnsel vm3, $0x0, v55;
	v34 =	vnsel vm4, $0x0, v57;
	v35 =	vnsel vm5, $0x0, v58  }
0x257: {  	v16 =	vld [tilespmem:s18+$0x60];
	v28 =	vmin.u32 v28, $0x5AA0;
	v33 =	vmin.u32 v56, $0x5AA0;
	v23 =	vmin.u32 v23, $0x5AA0  }
0x258: {  	s3 =	simm.s32 $0x90;
	s9 =	simm.s32 $0xB0;
	v10 =	vld [tilespmem:s18+$0x0];
	v25 =	vmin.u32 v25, $0x5AA0;
	v26 =	vmin.u32 v26, $0x5AA0;
	v27 =	vmin.u32 v27, $0x5AA0  }
0x259: {  	v62 =	vmin.u32 v29, $0x5AA0;
	v29 =	vmov s3;
	v58 =	vmov s9  }
0x25a: {  	vm5 =	vgt.s32 v21, $0x12BFF;
	vm4 =	vgt.s32 v18, $0x12BFF;
	v30 =	vadd.s32 $0xFFFED400, v9  }
0x25b: {  	v32 =	vmin.u32 v32, $0x5AA0;
	v46 =	vmin.u32 v34, $0x5AA0;
	vm9 =	vgt.s32 v30, $0x0  }
0x25c: {  	v47 =	vmin.u32 v35, $0x5AA0;
	v59 =	vadd.s32 $0xFFFED400, v14;
	v30 =	vnsel vm9, $0x0, v30  }
0x25d: {  	v60 =	vadd.s32 $0xFFFED400, v15;
	v61 =	vadd.s32 $0xFFFED400, v16;
	v31 =	vadd.s32 $0xFFFED400, v10  }
0x25e: {  	s23 =	simm.s32 $0x80;
	s24 =	simm.s32 $0x0;
	s8 =	simm.s32 $0xA0;
	vm6 =	vgt.s32 v59, $0x0;
	vm3 =	vgt.s32 v61, $0x0;
	v63 =	vmin.u32 v30, $0x5AA0;
	v52 =	vld.idx.msk [tilespmem:v24+s15+$0x0], $0xffff  }
0x25f: {  	v35 =	vld.idx.msk [tilespmem:v28+s15+$0x0], $0xffff;
	v24 =	vmov s24;
	v28 =	vmov s23;
	v30 =	vmov s8  }
0x260: {  	s31 =	simm.s32 $0xD0;
	vm2 =	vgt.s32 v31, $0x0;
	v37 =	vnsel vm6, $0x0, v59;
	v39 =	vnsel vm3, $0x0, v61  }
0x261: {  	v34 =	vld.idx.msk [tilespmem:v25+s15+$0x0], $0xffff;
	v59 =	vmov s31;
	v24 =	vshrl.u32 v24, $0x7;
	v25 =	vshrl.u32 v28, $0x7  }
0x262: {  	v28 =	vshrl.u32 v29, $0x7;
	v29 =	vld.idx.msk [tilespmem:v26+s15+$0x0], $0xffff;
	v26 =	vshrl.u32 v30, $0x7;
	vm6 =	vgt.s32 v20, $0x12BFF  }
0x263: {  	v30 =	vld.idx.msk [tilespmem:v27+s15+$0x0], $0xffff;
	vm3 =	vgt.s32 v17, $0x12BFF;
	v31 =	vnsel vm2, $0x0, v31;
	vm2 =	vgt.s32 v60, $0x0  }
0x264: {  	v57 =	vmin.u32 v37, $0x5AA0;
	v54 =	vmin.u32 v39, $0x5AA0;
	v37 =	vld.idx.msk [tilespmem:v33+s15+$0x0], $0xffff;
	v33 =	vshrl.u32 v58, $0x7  }
0x265: {  	v27 =	vld.idx.msk [tilespmem:v62+s15+$0x0], $0xffff;
	v24 =	vshll.u32 v24, v1;
	v61 =	vshll.u32 v25, v1;
	v62 =	vshll.u32 v28, v1  }
0x266: {  	s30 =	simm.s32 $0xC0;
	s10 =	simm.s32 $0xE0;
	v26 =	vshll.u32 v26, v1;
	v38 =	vnsel vm2, $0x0, v60;
	v42 =	vmin.u32 v31, $0x5AA0  }
0x267: {  	v31 =	vld.idx.msk [tilespmem:v23+s15+$0x0], $0xffff;
	v23 =	vmov s30;
	v60 =	vmov s10;
	v33 =	vshll.u32 v33, v1  }
0x268: {  	v45 =	vbroadcast v24, $0x0;
	v43 =	vbroadcast v61, $0x0;
	vm2 =	vgt.s32 v22, $0x12BFF;
	v24 =	vld.idx.msk [tilespmem:v46+s15+$0x0], $0xffff  }
0x269: {  	v44 =	vbroadcast v62, $0x0;
	v53 =	vmin.u32 v38, $0x5AA0;
	v23 =	vshrl.u32 v23, $0x7;
	v28 =	vld.idx.msk [tilespmem:v63+s15+$0x0], $0xffff  }
0x26a: {  	v38 =	vshrl.u32 v59, $0x7;
	v39 =	vshrl.u32 v60, $0x7;
	v63 =	vshll.u32 v23, v1;
	v23 =	vld.idx.msk [tilespmem:v32+s15+$0x0], $0xffff  }
0x26b: {  	v41 =	vbroadcast v33, $0x0;
	v38 =	vshll.u32 v38, v1;
	v51 =	vor.u32 v0, v45;
	v32 =	vld.idx.msk [tilespmem:v57+s15+$0x0], $0xffff  }
0x26c: {  	v55 =	vshll.u32 v39, v1;
	v50 =	vor.u32 v2, v45;
	[tilespmem:v36+s22+$0x0] =	vst.idx.msk vm1, v52;
	v36 =	vld.idx.msk [tilespmem:v54+s15+$0x0], $0xffff  }
0x26d: {  	v49 =	vor.u32 v3, v45;
	v48 =	vor.u32 v4, v45;
	v46 =	vor.u32 v6, v45;
	v25 =	vld.idx.msk [tilespmem:v42+s15+$0x0], $0xffff  }
0x26e: {  	vm1 =	vgt.s32 v19, $0x12BFF;
	v39 =	vbroadcast v63, $0x0;
	v42 =	vbroadcast v26, $0x0;
	v26 =	vld.idx.msk [tilespmem:v47+s15+$0x0], $0xffff  }
0x26f: {  	s0 =	simm.s32 $0x12E80;
	s3 =	simm.s32 $0x0;
	v40 =	vbroadcast v38, $0x0;
	v38 =	vbroadcast v55, $0x0;
	v47 =	vor.u32 v5, v45;
	v33 =	vld.idx.msk [tilespmem:v53+s15+$0x0], $0xffff  }
.LBB2_18:
0x270: {  	v52 =	vld [tilespmem:s0+$0x70];
	s3 =	sadd.s32 $0x10, s3;
	[tilespmem:v51+s22+$0x0] =	vst.idx.msk vm0, v35;
	v35 =	vor.u32 v7, v45;
	vm11 =	vgt.s32 v9, $0x12BFF;
	v45 =	vor.u32 v8, v45  }
0x271: {  	vm10 =	vgt.s32 v10, $0x12BFF;
	vm9 =	vgt.s32 v11, $0x12BFF;
	v9 =	vld [tilespmem:s0+$0xFFFFFF80];
	p0 =	slt.u32 s3, $0x3F0;
	[tilespmem:v50+s22+$0x0] =	vst.idx.msk vm2, v37;
	v37 =	vor.u32 v0, v43  }
0x272: {  	vm8 =	vgt.s32 v12, $0x12BFF;
	v42 =	vor.u32 v3, v42;
	v43 =	vor.u32 v2, v44;
	v20 =	vld [tilespmem:s0+$0xFFFFFF90]  }
0x273: {  	vm7 =	vgt.s32 v13, $0x12BFF;
	v17 =	vld [tilespmem:s0+$0xFFFFFFA0];
	[tilespmem:v49+s22+$0x0] =	vst.idx.msk vm5, v31;
	v31 =	vor.u32 v4, v41;
	vm5 =	vgt.s32 v14, $0x12BFF  }
0x274: {  	vm2 =	vgt.s32 v15, $0x12BFF;
	v15 =	vor.u32 v6, v40;
	v14 =	vor.u32 v5, v39;
	v18 =	vld [tilespmem:s0+$0xFFFFFFB0];
	[tilespmem:v48+s22+$0x0] =	vst.idx.msk vm6, v34  }
0x275: {  	v19 =	vld [tilespmem:s0+$0xFFFFFFC0];
	v10 =	vadd.s32 $0xFFFED400, v52;
	[tilespmem:v47+s22+$0x0] =	vst.idx.msk vm4, v29;
	vm4 =	vgt.s32 v16, $0x12BFF;
	v16 =	vor.u32 v7, v38  }
0x276: {  	v29 =	vadd.s32 $0xFFFED400, v9;
	vm0 =	vgt.s32 v9, $0x12BFF;
	v21 =	vld [tilespmem:s0+$0xFFFFFFD0];
	vm6 =	vgt.s32 v10, $0x0;
	[tilespmem:v46+s22+$0x0] =	vst.idx.msk vm3, v30  }
0x277: {  	vm3 =	vgt.s32 v29, $0x0;
	v30 =	vadd.s32 $0xFFFED400, v20;
	v22 =	vld [tilespmem:s0+$0xFFFFFFE0];
	v10 =	vnsel vm6, $0x0, v10;
	[tilespmem:v35+s22+$0x0] =	vst.idx.msk vm1, v27  }
0x278: {  	s29 =	sadd.s32 $0x100, s29;
	vm1 =	vgt.s32 v30, $0x0;
	v27 =	vadd.s32 $0xFFFED400, v17;
	v9 =	vld [tilespmem:s0+$0xFFFFFFF0];
	v34 =	vmin.u32 v10, $0x5AA0;
	[tilespmem:v45+s22+$0x0] =	vst.idx.msk vm11, v28  }
0x279: {  	s10 =	sadd.s32 $0xFFFFFF90, s29;
	s8 =	sadd.s32 $0xFFFFFFA0, s29;
	s9 =	sadd.s32 $0xFFFFFFB0, s29;
	v12 =	vmov s29;
	vm6 =	vgt.s32 v27, $0x0;
	v28 =	vadd.s32 $0xFFFED400, v18;
	v10 =	vld [tilespmem:s0+$0x0];
	[tilespmem:v37+s22+$0x0] =	vst.idx.msk vm10, v25  }
0x27a: {  	s1 =	sadd.s32 $0xFFFFFFC0, s29;
	s23 =	sadd.s32 $0xFFFFFFD0, s29;
	s24 =	sadd.s32 $0xFFFFFFE0, s29;
	v13 =	vshrl.u32 v12, $0x7;
	vm10 =	vgt.s32 v28, $0x0;
	v25 =	vadd.s32 $0xFFFED400, v19;
	v11 =	vld [tilespmem:s0+$0x10];
	[tilespmem:v43+s22+$0x0] =	vst.idx.msk vm9, v23  }
0x27b: {  	s18 =	sadd.s32 $0xFFFFFF10, s29;
	s13 =	sadd.s32 $0xFFFFFFF0, s29;
	v35 =	vshll.u32 v13, v1;
	vm9 =	vgt.s32 v25, $0x0;
	v23 =	vadd.s32 $0xFFFED400, v21;
	v12 =	vld [tilespmem:s0+$0x20];
	[tilespmem:v42+s22+$0x0] =	vst.idx.msk vm8, v24  }
0x27c: {  	v35 =	vbroadcast v35, $0x0;
	vm8 =	vgt.s32 v23, $0x0;
	v24 =	vadd.s32 $0xFFFED400, v22;
	v13 =	vld [tilespmem:s0+$0x30];
	[tilespmem:v31+s22+$0x0] =	vst.idx.msk vm7, v26  }
0x27d: {  	vm11 =	vgt.s32 v52, $0x12BFF;
	vm7 =	vgt.s32 v24, $0x0;
	v26 =	vadd.s32 $0xFFFED400, v9;
	v31 =	vld.idx.msk [tilespmem:v34+s15+$0x0], $0xffff;
	[tilespmem:v14+s22+$0x0] =	vst.idx.msk vm5, v32  }
0x27e: {  	v34 =	vor.u32 v8, v35;
	vm5 =	vgt.s32 v26, $0x0;
	v32 =	vadd.s32 $0xFFFED400, v10;
	v14 =	vld [tilespmem:s0+$0x40];
	[tilespmem:v15+s22+$0x0] =	vst.idx.msk vm2, v33  }
0x27f: {  	v29 =	vnsel vm3, $0x0, v29;
	vm2 =	vgt.s32 v32, $0x0;
	v33 =	vadd.s32 $0xFFFED400, v11;
	v15 =	vld [tilespmem:s0+$0x50];
	[tilespmem:v16+s22+$0x0] =	vst.idx.msk vm4, v36  }
0x280: {  	v30 =	vnsel vm1, $0x0, v30;
	vm1 =	vgt.s32 v33, $0x0;
	v35 =	vadd.s32 $0xFFFED400, v12;
	v16 =	vld [tilespmem:s0+$0x60]  }
0x281: {  	v27 =	vnsel vm6, $0x0, v27;
	vm3 =	vgt.s32 v35, $0x0;
	v36 =	vadd.s32 $0xFFFED400, v13  }
0x282: {  	v28 =	vnsel vm10, $0x0, v28;
	v25 =	vnsel vm9, $0x0, v25;
	vm4 =	vgt.s32 v36, $0x0  }
0x283: {  	v23 =	vnsel vm8, $0x0, v23;
	v24 =	vnsel vm7, $0x0, v24;
	v37 =	vadd.s32 $0xFFFED400, v14;
	[tilespmem:v34+s22+$0x0] =	vst.idx.msk vm11, v31  }
0x284: {  	v26 =	vnsel vm5, $0x0, v26;
	vm5 =	vgt.s32 v37, $0x0;
	v31 =	vadd.s32 $0xFFFED400, v15  }
0x285: {  	v32 =	vnsel vm2, $0x0, v32;
	vm2 =	vgt.s32 v31, $0x0;
	v34 =	vadd.s32 $0xFFFED400, v16  }
0x286: {  	v33 =	vnsel vm1, $0x0, v33;
	v35 =	vnsel vm3, $0x0, v35;
	vm1 =	vgt.s32 v34, $0x0  }
0x287: {  	v36 =	vnsel vm4, $0x0, v36;
	v37 =	vnsel vm5, $0x0, v37;
	v31 =	vnsel vm2, $0x0, v31  }
0x288: {  	v29 =	vmin.u32 v29, $0x5AA0;
	v30 =	vmin.u32 v30, $0x5AA0;
	v34 =	vnsel vm1, $0x0, v34  }
0x289: {  	v27 =	vmin.u32 v27, $0x5AA0;
	v28 =	vmin.u32 v28, $0x5AA0;
	v25 =	vmin.u32 v25, $0x5AA0  }
0x28a: {  	v23 =	vmin.u32 v23, $0x5AA0;
	v24 =	vmin.u32 v24, $0x5AA0;
	v26 =	vmin.u32 v26, $0x5AA0  }
0x28b: {  	v32 =	vmin.u32 v32, $0x5AA0;
	v33 =	vmin.u32 v33, $0x5AA0;
	v38 =	vmin.u32 v35, $0x5AA0  }
0x28c: {  	v36 =	vmin.u32 v36, $0x5AA0;
	v46 =	vmin.u32 v37, $0x5AA0;
	v52 =	vmin.u32 v31, $0x5AA0  }
0x28d: {  	v39 =	vmov s10;
	v53 =	vmin.u32 v34, $0x5AA0;
	v35 =	vld.idx.msk [tilespmem:v29+s15+$0x0], $0xffff;
	v29 =	vmov s18  }
0x28e: {  	v40 =	vmov s9;
	v41 =	vmov s1;
	v37 =	vld.idx.msk [tilespmem:v30+s15+$0x0], $0xffff;
	v30 =	vmov s8  }
0x28f: {  	v43 =	vmov s13;
	v42 =	vmov s24;
	v31 =	vld.idx.msk [tilespmem:v27+s15+$0x0], $0xffff;
	v27 =	vmov s23  }
0x290: {  	v44 =	vshrl.u32 v29, $0x7;
	v34 =	vld.idx.msk [tilespmem:v28+s15+$0x0], $0xffff;
	v28 =	vshrl.u32 v39, $0x7;
	v39 =	vshrl.u32 v30, $0x7  }
0x291: {  	v29 =	vld.idx.msk [tilespmem:v25+s15+$0x0], $0xffff;
	v25 =	vshrl.u32 v40, $0x7;
	v40 =	vshrl.u32 v41, $0x7;
	v41 =	vshrl.u32 v27, $0x7  }
0x292: {  	v44 =	vshll.u32 v44, v1;
	v30 =	vld.idx.msk [tilespmem:v23+s15+$0x0], $0xffff;
	v23 =	vshrl.u32 v42, $0x7;
	v42 =	vshrl.u32 v43, $0x7  }
0x293: {  	v39 =	vshll.u32 v39, v1;
	v47 =	vshll.u32 v25, v1;
	v27 =	vld.idx.msk [tilespmem:v24+s15+$0x0], $0xffff;
	v24 =	vshll.u32 v28, v1  }
0x294: {  	v48 =	vshll.u32 v23, v1;
	v28 =	vld.idx.msk [tilespmem:v26+s15+$0x0], $0xffff;
	v26 =	vshll.u32 v40, v1;
	v40 =	vshll.u32 v41, v1  }
0x295: {  	v45 =	vbroadcast v44, $0x0;
	v43 =	vbroadcast v24, $0x0;
	v25 =	vld.idx.msk [tilespmem:v32+s15+$0x0], $0xffff;
	v32 =	vshll.u32 v42, v1  }
0x296: {  	vm2 =	vgt.s32 v20, $0x12BFF;
	v44 =	vbroadcast v39, $0x0;
	v42 =	vbroadcast v47, $0x0;
	v23 =	vld.idx.msk [tilespmem:v33+s15+$0x0], $0xffff  }
.Ltmp10:
0x297: {  	v51 =	vor.u32 v0, v45;
	v41 =	vbroadcast v26, $0x0;
	v39 =	vbroadcast v40, $0x0;
	v24 =	vld.idx.msk [tilespmem:v38+s15+$0x0], $0xffff;
	(pc) =	sbr.rel @p0 .LBB2_18-.Ltmp10, $4  }
0x298: {  	v50 =	vor.u32 v2, v45;
	v40 =	vbroadcast v48, $0x0;
	v38 =	vbroadcast v32, $0x0;
	v26 =	vld.idx.msk [tilespmem:v36+s15+$0x0], $0xffff  }
0x299: {  	vm6 =	vgt.s32 v18, $0x12BFF;
	vm5 =	vgt.s32 v17, $0x12BFF;
	v49 =	vor.u32 v3, v45;
	v32 =	vld.idx.msk [tilespmem:v46+s15+$0x0], $0xffff  }
0x29a: {  	vm4 =	vgt.s32 v19, $0x12BFF;
	v48 =	vor.u32 v4, v45;
	v47 =	vor.u32 v5, v45;
	v33 =	vld.idx.msk [tilespmem:v52+s15+$0x0], $0xffff  }
0x29b: {  	s0 =	sadd.s32 $0x100, s0;
	vm3 =	vgt.s32 v21, $0x12BFF;
	vm1 =	vgt.s32 v22, $0x12BFF;
	v46 =	vor.u32 v6, v45;
	v36 =	vld.idx.msk [tilespmem:v53+s15+$0x0], $0xffff  }
0x29c: {  	_ =	sdelay $0x4  }
0x29d: {  	[tilespmem:v51+s22+$0x0] =	vst.idx.msk vm0, v35  }
0x29e: {  	v17 =	vor.u32 v7, v45;
	vm15 =	vgt.s32 v9, $0x12BFF;
	[tilespmem:v50+s22+$0x0] =	vst.idx.msk vm2, v37  }
0x29f: {  	v9 =	vor.u32 v8, v45;
	vm9 =	vgt.s32 v10, $0x12BFF;
	[tilespmem:v49+s22+$0x0] =	vst.idx.msk vm5, v31  }
0x2a0: {  	v10 =	vor.u32 v0, v43;
	vm10 =	vgt.s32 v11, $0x12BFF;
	[tilespmem:v48+s22+$0x0] =	vst.idx.msk vm6, v34  }
0x2a1: {  	v11 =	vor.u32 v2, v44;
	vm11 =	vgt.s32 v12, $0x12BFF;
	[tilespmem:v47+s22+$0x0] =	vst.idx.msk vm4, v29  }
0x2a2: {  	v61 =	vor.u32 v3, v42;
	vm12 =	vgt.s32 v13, $0x12BFF;
	[tilespmem:v46+s22+$0x0] =	vst.idx.msk vm3, v30  }
0x2a3: {  	v62 =	vor.u32 v4, v41;
	vm13 =	vgt.s32 v14, $0x12BFF;
	[tilespmem:v17+s22+$0x0] =	vst.idx.msk vm1, v27  }
0x2a4: {  	v63 =	vor.u32 v5, v39;
	vm14 =	vgt.s32 v15, $0x12BFF;
	[tilespmem:v9+s22+$0x0] =	vst.idx.msk vm15, v28  }
0x2a5: {  	v9 =	vor.u32 v6, v40;
	vm15 =	vgt.s32 v16, $0x12BFF;
	[tilespmem:v10+s22+$0x0] =	vst.idx.msk vm9, v25  }
0x2a6: {  	v10 =	vor.u32 v7, v38;
	[tilespmem:v11+s22+$0x0] =	vst.idx.msk vm10, v23  }
0x2a7: {  	[tilespmem:v61+s22+$0x0] =	vst.idx.msk vm11, v24  }
0x2a8: {  	s0 =	sshll.u32 s26, $0x11;
	[tilespmem:v62+s22+$0x0] =	vst.idx.msk vm12, v26  }
0x2a9: {  	s0 =	sor.u32 s28, s0;
	[tilespmem:v63+s22+$0x0] =	vst.idx.msk vm13, v32  }
0x2aa: {  	s25 =	sadd.s32 $0x1, s25;
	s0 =	sshrl.u32 s0, $0x3;
	[tilespmem:v9+s22+$0x0] =	vst.idx.msk vm14, v33  }
0x2ab: {  	p0 =	sne.s32 s25, $0xD;
	s0 =	sadd.s32 s7, s0;
	[tilespmem:v10+s22+$0x0] =	vst.idx.msk vm15, v36  }
0x2ac: {  	[hbm4b:s0+s11] =	stream.strided.scatter [tilespmem:s22], [sflag:$0x4], $0x4000, s12, s11, $0x38;
	[tilespmem:$0x1ED00] =	vst v63  }
.Ltmp11:
0x2ad: {  	_ = 	snop;
	(pc) =	sbr.rel @p0 .LBB2_2-.Ltmp11, $4  }
.Ltmp12:
0x2ae: {  	_ = 	snop;
	(pc) =	sbr.rel @!p0 .LBB2_20-.Ltmp12, $4  }
0x2af: {  	_ =	swait.ge [sflag:s20], $0x9580  }
0x2b0: {  	[sflag:s20] =	ssyncset.done $0x0  }
0x2b1: {  	[sflag:s20] =	ssyncadd.s32 $0xFFFF6A80  }
0x2b2: {  	_ = 	snop  }
.LBB2_6:
.Ltmp13:
0x2b3: {  	(pc) =	sbr.rel .LBB2_7-.Ltmp13, $2  }
0x2b4: {  	_ =	sdelay $0x2  }
0x2b5: {  	p0 =	por $0x1, $0x1  }
.LBB2_21:
0x2b6: {  	_ =	sfence.sel $0x180000  }
0x2b7: {  	[bflag:$0x0] =	sbarrier.arrive $0xFFFF  }
0x2b8: {  	_ =	strace $0x90000047  }
0x2b9: {  	s0 =	stileid.u32;
	[bflag:$0x2] =	sbarrier.arrive $0xFFFF  }
0x2ba: {  	p0 =	sne.s32 s0, $0x0;
	s0 =	rddreg [dreg:$0x4]  }
0x2bb: {  	s0 =	sadd.s32 @!p0 $0x100000, s0  }
0x2bc: {  	[sflag:s0] =	ssyncadd.tile.s32 @!p0 $0x1;
	_ =	shalt  }
.Lfunc_end2:
_tile_overlayer_lowered:
.L_overlay_start_2:
0x2bd: {  	(tag) =	ssettag $0x2  }
0x2be: {  	s0 =	rddreg [dreg:$0x0];
	s2 =	stileid.u32  }
0x2bf: {  	s1 =	rddreg [dreg:$0x1];
	p0 =	sne.s32 s2, $0x0  }
0x2c0: {  	s3 =	rddreg [dreg:$0x2];
	[bflag:$0x3] =	sbarrier.arrive $0xFFFF;
	s2 =	simm.s32 @!p0 $0x1C05  }
0x2c1: {  	[timem:s3], [sflag:s2] =	dma.local @!p0 [hbm:s0], s1  }
0x2c2: {  	s0 =	simm.s32 @!p0 $0x5  }
0x2c3: {  	_ =	swait.ge @!p0 [sflag:s0], s1  }
0x2c4: {  	s1 =	ssub.s32 @!p0 $0x0, s1;
	[sflag:s0] =	ssyncset.done @!p0 $0x0  }
0x2c5: {  	[sflag:s0] =	ssyncadd.s32 @!p0 s1  }
0x2c6: {  	[bflag:$0x3] =	sbarrier.arrive $0xFFFF  }
0x2c7: {  	_ =	shalt  }

</sc_bundles>
